<compile_context>
chip_gen: v7x
topology: tpu7x:2x2x1
jax: 0.10.2.dev20260603
libtpu: 0.0.44.dev20260713+nightly
codegen_flags: <defaults>
</compile_context>

<pallas_src>
import jax
import jax.numpy as jnp
from jax import lax
from jax.experimental import pallas as pl
from jax.experimental.pallas import tpu as pltpu
from jax.experimental.pallas import tpu_sc as plsc

NC, NS = 2, 16

N_LG = 160000
D = 128
N_NODES = 10000
NODE_IDX_ROWS = N_LG // 128
NODE_ROWS_PT = N_NODES // NS

E_LG = 640000
DE = 16
N_ESEG = 160000
ECHUNK = 1024
NECH = ECHUNK // 128
EDGE_IDX_ROWS = E_LG // 128
EDGE_CHUNKS = E_LG // ECHUNK
HALF = N_ESEG // 2
DUMP = 4096
EACC_ROWS = HALF + DUMP
EACC_ROWS_PT = EACC_ROWS // NS
EOUT_ROWS_PT = HALF // NS
ECNT_ROWS = N_ESEG + 64
ECNT_ROWS_PT = ECNT_ROWS // NS

_mesh = plsc.VectorSubcoreMesh(
    core_axis_name="c", subcore_axis_name="s", num_cores=NC, num_subcores=NS)

_sc_params = pltpu.CompilerParams(use_tc_tiling_on_sc=False)

_f32 = jnp.float32


def _fill(buf, rows, width, vec):

    def body(r, _):
        for k in range(width // 16):
            buf[r, pl.ds(k * 16, 16)] = vec
        return 0

    lax.fori_loop(0, rows, body, 0)


NODE_RPT = 624


def _node_body(x, idx0f, idx1f, sums, acc_s, buf0, buf1, iv0, iv1, sem0,
               sem1, ssem):
    cid = lax.axis_index("c")
    sid = lax.axis_index("s")
    bufs, ivs, sems = (buf0, buf1), (iv0, iv1), (sem0, sem1)

    zeros = jnp.zeros((16,), _f32)
    _fill(buf0, 128, D, zeros)
    zb = sid * NODE_RPT
    for t in range(4):
        pltpu.sync_copy(buf0, acc_s.at[pl.ds(zb + t * 128, 128)])

    @pl.when(sid == NS - 1)
    def _():
        pltpu.sync_copy(buf0, acc_s.at[pl.ds(zb + 512, 128)])

    @pl.when(sid != NS - 1)
    def _():
        pltpu.sync_copy(buf0.at[pl.ds(0, 112)], acc_s.at[pl.ds(zb + 512, 112)])

    plsc.subcore_barrier()

    n_t = 78 + jnp.where(sid < 2, 1, 0)

    def issue(i, slot):
        j = sid + NS * i

        @pl.when(cid == 0)
        def _():
            pltpu.async_copy(idx0f.at[pl.ds(j * 128, 128)], ivs[slot],
                             sems[slot])
            pltpu.async_copy(x.at[pl.ds(j * 128, 128), pl.ds(D, D)],
                             bufs[slot], sems[slot])

        @pl.when(cid == 1)
        def _():
            pltpu.async_copy(idx1f.at[pl.ds(j * 128, 128)], ivs[slot],
                             sems[slot])
            pltpu.async_copy(x.at[pl.ds(j * 128, 128), pl.ds(0, D)],
                             bufs[slot], sems[slot])

    def wait_in(slot):
        pltpu.make_async_copy(idx0f.at[pl.ds(0, 128)], ivs[slot],
                              sems[slot]).wait()
        pltpu.make_async_copy(x.at[pl.ds(0, 128), pl.ds(0, D)], bufs[slot],
                              sems[slot]).wait()

    issue(0, 0)

    def pair(io, _):
        for b in range(2):
            i = 2 * io + b

            @pl.when(i + 1 < n_t)
            def _():
                issue(i + 1, 1 - b)

            @pl.when(i < n_t)
            def _():
                wait_in(b)
                pltpu.async_copy(bufs[b], acc_s.at[ivs[b]], ssem,
                                 add=True).wait()
        return 0

    lax.fori_loop(0, 40, pair, 0)
    plsc.subcore_barrier()

    ob = sid * NODE_RPT

    @pl.when(sid == NS - 1)
    def _():
        pltpu.sync_copy(acc_s.at[pl.ds(ob, 640)],
                        sums.at[cid, pl.ds(ob, 640), :])

    @pl.when(sid != NS - 1)
    def _():
        pltpu.sync_copy(acc_s.at[pl.ds(ob, NODE_RPT)],
                        sums.at[cid, pl.ds(ob, NODE_RPT), :])


@jax.jit
def _node_scatter(x, idx0f, idx1f):
    return pl.kernel(
        _node_body,
        out_type=jax.ShapeDtypeStruct((NC, N_NODES, D), _f32),
        mesh=_mesh,
        scratch_types=[
            pltpu.VMEM_SHARED((N_NODES, D), _f32),
            pltpu.VMEM((128, D), _f32),
            pltpu.VMEM((128, D), _f32),
            pltpu.VMEM((128,), jnp.int32),
            pltpu.VMEM((128,), jnp.int32),
            pltpu.SemaphoreType.DMA,
            pltpu.SemaphoreType.DMA,
            pltpu.SemaphoreType.DMA,
        ],
    )(x, idx0f, idx1f)


NCNT_ROWS = N_NODES + 16
NCNT_ROWS_PT = NCNT_ROWS // NS


def _cnt_body(eidx3, idx2, ones_c, zeros_c, ecnts, ncnts, acc_c, acc_n,
              ones8, ones16, zbuf, iv0, iv1, sem0, sem1, ssem):
    cid = lax.axis_index("c")
    sid = lax.axis_index("s")
    ivs, sems = (iv0, iv1), (sem0, sem1)

    pltpu.sync_copy(zeros_c, zbuf)
    pltpu.sync_copy(ones_c, ones8)
    zeros = jnp.zeros((16,), _f32)
    _fill(ones16, 128, 16, zeros)
    zb = sid * ECNT_ROWS_PT
    for t in range(ECNT_ROWS_PT // 512):
        pltpu.sync_copy(zbuf, acc_c.at[pl.ds(zb + t * 512, 512)])
    rem = ECNT_ROWS_PT % 512
    if rem:
        off = zb + (ECNT_ROWS_PT // 512) * 512
        pltpu.sync_copy(zbuf.at[pl.ds(0, rem)], acc_c.at[pl.ds(off, rem)])
    zn = sid * NCNT_ROWS_PT
    for t in range(NCNT_ROWS_PT // 128):
        pltpu.sync_copy(ones16, acc_n.at[pl.ds(zn + t * 128, 128)])
    rem = NCNT_ROWS_PT % 128
    if rem:
        off = zn + (NCNT_ROWS_PT // 128) * 128
        pltpu.sync_copy(ones16.at[pl.ds(0, rem)], acc_n.at[pl.ds(off, rem)])
    _fill(ones16, 128, 16, jnp.ones((16,), _f32))
    plsc.subcore_barrier()

    n_t = 39 + jnp.where(sid < 1, 1, 0)

    def issue(k, slot):
        c = sid + NS * k
        pltpu.async_copy(eidx3.at[cid, pl.ds(NECH * c, NECH), :], ivs[slot],
                         sems[slot])

    def wait_in(slot):
        pltpu.make_async_copy(eidx3.at[0, pl.ds(0, NECH), :], ivs[slot],
                              sems[slot]).wait()

    issue(0, 0)

    def pair(ko, _):
        for b in range(2):
            k = 2 * ko + b

            @pl.when(k + 1 < n_t)
            def _():
                issue(k + 1, 1 - b)

            @pl.when(k < n_t)
            def _():
                wait_in(b)
                ds = [pltpu.async_copy(ones8, acc_c.at[ivs[b].at[q]], ssem,
                                       add=True) for q in range(NECH)]
                for dd in ds:
                    dd.wait()
        return 0

    lax.fori_loop(0, 20, pair, 0)

    n_t2 = 9 + jnp.where(sid < 12, 1, 0)

    def issue2(i, slot):
        ch = sid + NS * i
        pltpu.async_copy(idx2.at[cid, pl.ds(8 * ch, 8), :], ivs[slot],
                         sems[slot])

    def wait_in2(slot):
        pltpu.make_async_copy(idx2.at[0, pl.ds(0, 8), :], ivs[slot],
                              sems[slot]).wait()

    issue2(0, 0)

    def pair2(io, _):
        for b in range(2):
            i = 2 * io + b

            @pl.when(i + 1 < n_t2)
            def _():
                issue2(i + 1, 1 - b)

            @pl.when(i < n_t2)
            def _():
                wait_in2(b)
                ds = [pltpu.async_copy(ones16, acc_n.at[ivs[b].at[q]], ssem,
                                       add=True) for q in range(8)]
                for dd in ds:
                    dd.wait()
        return 0

    lax.fori_loop(0, 5, pair2, 0)

    @pl.when(sid < 2)
    def _():
        pltpu.sync_copy(idx2.at[cid, pl.ds(1248 + sid, 1), :],
                        iv0.at[pl.ds(0, 1), :])
        pltpu.sync_copy(ones16, acc_n.at[iv0.at[0]], add=True)

    plsc.subcore_barrier()

    ob = sid * (N_ESEG // NS)
    pltpu.sync_copy(acc_c.at[pl.ds(ob, N_ESEG // NS)],
                    ecnts.at[cid, pl.ds(ob, N_ESEG // NS), :])
    on = sid * NODE_ROWS_PT
    pltpu.sync_copy(acc_n.at[pl.ds(on, NODE_ROWS_PT)],
                    ncnts.at[cid, pl.ds(on, NODE_ROWS_PT), :])


@jax.jit
def _counts(eidx3, idx2, ones_c, zeros_c):
    return pl.kernel(
        _cnt_body,
        out_type=(jax.ShapeDtypeStruct((NC, N_ESEG, 8), _f32),
                  jax.ShapeDtypeStruct((NC, N_NODES, 16), _f32)),
        mesh=_mesh,
        scratch_types=[
            pltpu.VMEM_SHARED((ECNT_ROWS, 8), _f32),
            pltpu.VMEM_SHARED((NCNT_ROWS, 16), _f32),
            pltpu.VMEM((128, 8), _f32),
            pltpu.VMEM((128, 16), _f32),
            pltpu.VMEM((512, 8), _f32),
            pltpu.VMEM((NECH, 128), jnp.int32),
            pltpu.VMEM((NECH, 128), jnp.int32),
            pltpu.SemaphoreType.DMA,
            pltpu.SemaphoreType.DMA,
            pltpu.SemaphoreType.DMA,
        ],
        compiler_params=_sc_params,
    )(eidx3, idx2, ones_c, zeros_c)


def _edge_body(ea, eidx3, sums, acc_s, buf0, buf1, iv0, iv1, sem0, sem1,
               ssem):
    cid = lax.axis_index("c")
    sid = lax.axis_index("s")
    bufs, ivs, sems = (buf0, buf1), (iv0, iv1), (sem0, sem1)

    zeros = jnp.zeros((16,), _f32)
    n_t = 39 + jnp.where(sid < 1, 1, 0)

    for p in range(2):
        _fill(buf0, 512, DE, zeros)
        zb = sid * EACC_ROWS_PT
        for t in range(EACC_ROWS_PT // 512):
            pltpu.sync_copy(buf0.at[pl.ds(0, 512)],
                            acc_s.at[pl.ds(zb + t * 512, 512)])
        rem = EACC_ROWS_PT % 512
        if rem:
            off = zb + (EACC_ROWS_PT // 512) * 512
            pltpu.sync_copy(buf0.at[pl.ds(0, rem)], acc_s.at[pl.ds(off, rem)])
        plsc.subcore_barrier()

        def issue(k, slot):
            c = sid + NS * k
            pltpu.async_copy(eidx3.at[cid, pl.ds(NECH * c, NECH), :],
                             ivs[slot], sems[slot])

            @pl.when(cid == 0)
            def _():
                pltpu.async_copy(ea.at[pl.ds(ECHUNK * c, ECHUNK),
                                       pl.ds(DE, DE)], bufs[slot], sems[slot])

            @pl.when(cid == 1)
            def _():
                pltpu.async_copy(ea.at[pl.ds(ECHUNK * c, ECHUNK),
                                       pl.ds(0, DE)], bufs[slot], sems[slot])

        def wait_in(slot):
            pltpu.make_async_copy(eidx3.at[0, pl.ds(0, NECH), :], ivs[slot],
                                  sems[slot]).wait()
            pltpu.make_async_copy(ea.at[pl.ds(0, ECHUNK), pl.ds(0, DE)],
                                  bufs[slot], sems[slot]).wait()

        def transform(slot):
            for q in range(NECH):
                for m in range(8):
                    v = ivs[slot][q, pl.ds(m * 16, 16)]
                    if p == 0:
                        ing = v < HALF
                        local = v
                    else:
                        ing = v >= HALF
                        local = v - HALF
                    dump = HALF + lax.bitwise_and(v, DUMP - 1)
                    ivs[slot][q, pl.ds(m * 16, 16)] = jnp.where(ing, local,
                                                                dump)

        issue(0, 0)

        def pair(ko, _):
            for b in range(2):
                k = 2 * ko + b

                @pl.when(k + 1 < n_t)
                def _():
                    issue(k + 1, 1 - b)

                @pl.when(k < n_t)
                def _():
                    wait_in(b)
                    transform(b)
                    ds = [pltpu.async_copy(bufs[b].at[pl.ds(q * 128, 128)],
                                           acc_s.at[ivs[b].at[q]], ssem,
                                           add=True) for q in range(NECH)]
                    for dd in ds:
                        dd.wait()
            return 0

        lax.fori_loop(0, 20, pair, 0)
        plsc.subcore_barrier()

        ob = sid * EOUT_ROWS_PT
        pltpu.sync_copy(acc_s.at[pl.ds(ob, EOUT_ROWS_PT)],
                        sums.at[cid, pl.ds(p * HALF + ob, EOUT_ROWS_PT), :])
        plsc.subcore_barrier()


@jax.jit
def _edge_scatter(ea, eidx3):
    return pl.kernel(
        _edge_body,
        out_type=jax.ShapeDtypeStruct((NC, N_ESEG, DE), _f32),
        mesh=_mesh,
        scratch_types=[
            pltpu.VMEM_SHARED((EACC_ROWS, DE), _f32),
            pltpu.VMEM((ECHUNK, DE), _f32),
            pltpu.VMEM((ECHUNK, DE), _f32),
            pltpu.VMEM((NECH, 128), jnp.int32),
            pltpu.VMEM((NECH, 128), jnp.int32),
            pltpu.SemaphoreType.DMA,
            pltpu.SemaphoreType.DMA,
            pltpu.SemaphoreType.DMA,
        ],
        compiler_params=_sc_params,
    )(ea, eidx3)


def _combine_body(s_ref, c_ref, o_ref):
    s0, s1 = s_ref[0], s_ref[1]
    c0 = c_ref[0][:, 0:1]
    c1 = c_ref[1][:, 0:1]
    o_ref[...] = (s0 / jnp.maximum(c0, 1.0)) + (s1 / jnp.maximum(c1, 1.0))


def _combine(sums, cnts, rows_blk, n_rows, width, cwidth):
    grid = n_rows // rows_blk
    return pl.pallas_call(
        _combine_body,
        grid=(grid,),
        in_specs=[
            pl.BlockSpec((NC, rows_blk, width), lambda i: (0, i, 0)),
            pl.BlockSpec((NC, rows_blk, cwidth), lambda i: (0, i, 0)),
        ],
        out_specs=pl.BlockSpec((rows_blk, width), lambda i: (i, 0)),
        out_shape=jax.ShapeDtypeStruct((n_rows, width), _f32),
    )(sums, cnts)


def kernel(x, lg_node_idx, edge_attr, edge_index, org_edge_attr, org_x,
           org_edge_index):
    idx0f = lg_node_idx[:, 0].astype(jnp.int32)
    idx1f = lg_node_idx[:, 1].astype(jnp.int32)
    idx2 = jnp.stack([idx0f.reshape(NODE_IDX_ROWS, 128),
                      idx1f.reshape(NODE_IDX_ROWS, 128)])
    eidx3 = edge_index.astype(jnp.int32).reshape(2, EDGE_IDX_ROWS, 128)
    ones_c = jnp.ones((128, 8), _f32)
    zeros_c = jnp.zeros((512, 8), _f32)

    nsums = _node_scatter(x, idx0f, idx1f)
    ecnts, ncnts = _counts(eidx3, idx2, ones_c, zeros_c)
    esums = _edge_scatter(edge_attr, eidx3)

    new_x = _combine(nsums, ncnts, 1000, N_NODES, D, 16)
    new_edge_attr = _combine(esums, ecnts, 1000, N_ESEG, DE, 8)
    return new_x, new_edge_attr, org_edge_index

# --- scband reference (transcript-rebuilt; emitter-appended) ---
"""Pipeline reference for scband-linegraph2graph-32049045963021 (READ-ONLY COPY).

The authoritative reference and input builder live on the scoring server;
editing this copy changes nothing except your own understanding.
"""

import jax, jax.numpy as jnp
import numpy as np


def _segment_mean(data, seg, num_segments):
    # torch_scatter.scatter_mean semantics: empty segments -> 0
    s = jax.ops.segment_sum(data, seg, num_segments=num_segments)
    cnt = jax.ops.segment_sum(jnp.ones((data.shape[0],), jnp.float32), seg, num_segments=num_segments)
    return s / jnp.maximum(cnt, 1.0)[:, None]


def setup_inputs(seed: int = 0) -> dict:
    key = jax.random.key(seed)
    ks = jax.random.split(key, 5)
    N_nodes, d = 10000, 128
    N_lg = 160000  # line-graph nodes == original edges
    E_lg = 640000  # line-graph edges
    de = 16
    x = jax.random.normal(ks[0], (N_lg, 2 * d), dtype=jnp.float32)
    lg_node_idx = jax.random.randint(ks[1], (N_lg, 2), 0, N_nodes, dtype=jnp.int64 if jax.config.jax_enable_x64 else jnp.int32)
    edge_attr = jax.random.normal(ks[2], (E_lg, 2 * de), dtype=jnp.float32)
    edge_index = jax.random.randint(ks[3], (2, E_lg), 0, N_lg, dtype=jnp.int64 if jax.config.jax_enable_x64 else jnp.int32)
    org_edge_attr = jnp.zeros((N_lg, de), dtype=jnp.float32)
    org_x = jnp.zeros((N_nodes, d), dtype=jnp.float32)
    org_edge_index = jax.random.randint(ks[4], (2, N_lg), 0, N_nodes, dtype=jnp.int64 if jax.config.jax_enable_x64 else jnp.int32)
    return {
        "x": x,
        "lg_node_idx": lg_node_idx,
        "edge_attr": edge_attr,
        "edge_index": edge_index,
        "org_edge_attr": org_edge_attr,
        "org_x": org_x,
        "org_edge_index": org_edge_index,
    }


def reference(x, lg_node_idx, edge_attr, edge_index, org_edge_attr, org_x, org_edge_index):
    # --- node part: batch.shape == org_x.shape (original graph node feature shape) ---
    N, d = org_x.shape
    # scatter_mean to num_segments=N subsumes the pad() (empty trailing segments -> 0)
    frontNode = _segment_mean(x, lg_node_idx[:, 0], N)[:, d:]
    backNode = _segment_mean(x, lg_node_idx[:, 1], N)[:, :d]
    new_x = frontNode + backNode
    # --- edge part: shape == batch.org_edge_attr.shape ---
    E, de = org_edge_attr.shape
    frontEdge = _segment_mean(edge_attr, edge_index[0, :], E)[:, de:]
    backEdge = _segment_mean(edge_attr, edge_index[1, :], E)[:, :de]
    new_edge_attr = frontEdge + backEdge
    # batch.edge_index is reset to org_edge_index (pass-through)
    return new_x, new_edge_attr, org_edge_index

if __name__ == "__main__":
    import jax
    _d = setup_inputs()
    print(jax.jit(kernel)(*tuple(_d.values())))

</pallas_src>

<mosaic_0001>
#map = affine_map<(d0, d1) -> (0, 0)>
#map1 = affine_map<(d0, d1) -> (0)>
#map2 = affine_map<(d0, d1) -> (0, 0, 0)>
module attributes {stable_mosaic.version = 14 : i64} {
  func.func @_node_body(%arg0: i32, %arg1: i32, %arg2: memref<160000x256xf32, #tpu.memory_space<hbm>>, %arg3: memref<160000xi32, #tpu.memory_space<hbm>>, %arg4: memref<160000xi32, #tpu.memory_space<hbm>>, %arg5: memref<2x10000x128xf32, #tpu.memory_space<hbm>>, %arg6: memref<10000x128xf32, #tpu.memory_space<vmem_shared>>, %arg7: memref<128x128xf32, #tpu.memory_space<vmem>>, %arg8: memref<128x128xf32, #tpu.memory_space<vmem>>, %arg9: memref<128xi32, #tpu.memory_space<vmem>>, %arg10: memref<128xi32, #tpu.memory_space<vmem>>, %arg11: memref<!tpu.dma_semaphore, #tpu.memory_space<semaphore_mem>>, %arg12: memref<!tpu.dma_semaphore, #tpu.memory_space<semaphore_mem>>, %arg13: memref<!tpu.dma_semaphore, #tpu.memory_space<semaphore_mem>>) attributes {dimension_semantics = [#tpu.dimension_semantics<core_parallel>, #tpu.dimension_semantics<subcore_parallel>], iteration_bounds = array<i64: 2, 16>, scalar_prefetch = 0 : i64, scratch_operands = 8 : i64, tpu.core_type = #tpu.core_type<sc_vector_subcore>, window_params = [{transform_indices = #map}, {transform_indices = #map1}, {transform_indices = #map1}, {transform_indices = #map2}]} {
    %broadcast_in_dim3A = arith.constant 0.000000e+00 : f32
    %broadcast_in_dim3A_0 = vector.broadcast %broadcast_in_dim3A : f32 to vector<16xf32>
    %scan3A = arith.constant 0 : i32
    %scan3A_1 = arith.constant 0 : i32
    %scan3A_2 = arith.constant 128 : i32
    %scan3A_3 = arith.addi %scan3A_1, %scan3A_2 : i32
    %scan3A_4 = arith.constant 1 : i32
    %scan3A_5 = scf.for %scan3A_57 = %scan3A_1 to %scan3A_3 step %scan3A_4 iter_args(%scan3A_58 = %scan3A) -> (i32)  : i32 {
      %swap3A = arith.index_cast %scan3A_57 : i32 to index
      %swap3A_59 = arith.constant 0 : index
      %swap3A_60 = tpu.vector_load %arg7[%swap3A, %swap3A_59] {strides = array<i32>} : memref<128x128xf32, #tpu.memory_space<vmem>>, vector<1x16xf32>,
      %swap3A_61 = vector.shape_cast %swap3A_60 : vector<1x16xf32> to vector<16xf32>
      %swap3A_62 = vector.shape_cast %broadcast_in_dim3A_0 : vector<16xf32> to vector<1x16xf32>
      tpu.vector_store %arg7[%swap3A, %swap3A_59], %swap3A_62 {strides = array<i32>} : memref<128x128xf32, #tpu.memory_space<vmem>>, vector<1x16xf32>,
      %swap3A_63 = arith.index_cast %scan3A_57 : i32 to index
      %swap3A_64 = arith.constant 16 : index
      %swap3A_65 = tpu.vector_load %arg7[%swap3A_63, %swap3A_64] {strides = array<i32>} : memref<128x128xf32, #tpu.memory_space<vmem>>, vector<1x16xf32>,
      %swap3A_66 = vector.shape_cast %swap3A_65 : vector<1x16xf32> to vector<16xf32>
      %swap3A_67 = vector.shape_cast %broadcast_in_dim3A_0 : vector<16xf32> to vector<1x16xf32>
      tpu.vector_store %arg7[%swap3A_63, %swap3A_64], %swap3A_67 {strides = array<i32>} : memref<128x128xf32, #tpu.memory_space<vmem>>, vector<1x16xf32>,
      %swap3A_68 = arith.index_cast %scan3A_57 : i32 to index
      %swap3A_69 = arith.constant 32 : index
      %swap3A_70 = tpu.vector_load %arg7[%swap3A_68, %swap3A_69] {strides = array<i32>} : memref<128x128xf32, #tpu.memory_space<vmem>>, vector<1x16xf32>,
      %swap3A_71 = vector.shape_cast %swap3A_70 : vector<1x16xf32> to vector<16xf32>
      %swap3A_72 = vector.shape_cast %broadcast_in_dim3A_0 : vector<16xf32> to vector<1x16xf32>
      tpu.vector_store %arg7[%swap3A_68, %swap3A_69], %swap3A_72 {strides = array<i32>} : memref<128x128xf32, #tpu.memory_space<vmem>>, vector<1x16xf32>,
      %swap3A_73 = arith.index_cast %scan3A_57 : i32 to index
      %swap3A_74 = arith.constant 48 : index
      %swap3A_75 = tpu.vector_load %arg7[%swap3A_73, %swap3A_74] {strides = array<i32>} : memref<128x128xf32, #tpu.memory_space<vmem>>, vector<1x16xf32>,
      %swap3A_76 = vector.shape_cast %swap3A_75 : vector<1x16xf32> to vector<16xf32>
      %swap3A_77 = vector.shape_cast %broadcast_in_dim3A_0 : vector<16xf32> to vector<1x16xf32>
      tpu.vector_store %arg7[%swap3A_73, %swap3A_74], %swap3A_77 {strides = array<i32>} : memref<128x128xf32, #tpu.memory_space<vmem>>, vector<1x16xf32>,
      %swap3A_78 = arith.index_cast %scan3A_57 : i32 to index
      %swap3A_79 = arith.constant 64 : index
      %swap3A_80 = tpu.vector_load %arg7[%swap3A_78, %swap3A_79] {strides = array<i32>} : memref<128x128xf32, #tpu.memory_space<vmem>>, vector<1x16xf32>,
      %swap3A_81 = vector.shape_cast %swap3A_80 : vector<1x16xf32> to vector<16xf32>
      %swap3A_82 = vector.shape_cast %broadcast_in_dim3A_0 : vector<16xf32> to vector<1x16xf32>
      tpu.vector_store %arg7[%swap3A_78, %swap3A_79], %swap3A_82 {strides = array<i32>} : memref<128x128xf32, #tpu.memory_space<vmem>>, vector<1x16xf32>,
      %swap3A_83 = arith.index_cast %scan3A_57 : i32 to index
      %swap3A_84 = arith.constant 80 : index
      %swap3A_85 = tpu.vector_load %arg7[%swap3A_83, %swap3A_84] {strides = array<i32>} : memref<128x128xf32, #tpu.memory_space<vmem>>, vector<1x16xf32>,
      %swap3A_86 = vector.shape_cast %swap3A_85 : vector<1x16xf32> to vector<16xf32>
      %swap3A_87 = vector.shape_cast %broadcast_in_dim3A_0 : vector<16xf32> to vector<1x16xf32>
      tpu.vector_store %arg7[%swap3A_83, %swap3A_84], %swap3A_87 {strides = array<i32>} : memref<128x128xf32, #tpu.memory_space<vmem>>, vector<1x16xf32>,
      %swap3A_88 = arith.index_cast %scan3A_57 : i32 to index
      %swap3A_89 = arith.constant 96 : index
      %swap3A_90 = tpu.vector_load %arg7[%swap3A_88, %swap3A_89] {strides = array<i32>} : memref<128x128xf32, #tpu.memory_space<vmem>>, vector<1x16xf32>,
      %swap3A_91 = vector.shape_cast %swap3A_90 : vector<1x16xf32> to vector<16xf32>
      %swap3A_92 = vector.shape_cast %broadcast_in_dim3A_0 : vector<16xf32> to vector<1x16xf32>
      tpu.vector_store %arg7[%swap3A_88, %swap3A_89], %swap3A_92 {strides = array<i32>} : memref<128x128xf32, #tpu.memory_space<vmem>>, vector<1x16xf32>,
      %swap3A_93 = arith.index_cast %scan3A_57 : i32 to index
      %swap3A_94 = arith.constant 112 : index
      %swap3A_95 = tpu.vector_load %arg7[%swap3A_93, %swap3A_94] {strides = array<i32>} : memref<128x128xf32, #tpu.memory_space<vmem>>, vector<1x16xf32>,
      %swap3A_96 = vector.shape_cast %swap3A_95 : vector<1x16xf32> to vector<16xf32>
      %swap3A_97 = vector.shape_cast %broadcast_in_dim3A_0 : vector<16xf32> to vector<1x16xf32>
      tpu.vector_store %arg7[%swap3A_93, %swap3A_94], %swap3A_97 {strides = array<i32>} : memref<128x128xf32, #tpu.memory_space<vmem>>, vector<1x16xf32>,
      %scan3A_98 = arith.constant 0 : i32
      scf.yield %scan3A_98 : i32
    }
    %scan3A_6 = arith.constant 128 : i32
    %mul3A = arith.constant 624 : i32
    %mul3A_7 = arith.muli %arg1, %mul3A : i32
    %add3A = arith.constant 0 : i32
    %add3A_8 = arith.addi %mul3A_7, %add3A : i32
    "tpu.region"() ({
      %run_scoped3A = tpu.sem_alloc : memref<!tpu.dma_semaphore, #tpu.memory_space<semaphore_mem>>
      %dma_start3A = arith.constant 0 : i32
      %dma_start3A_57 = tpu.memref_slice %arg6[%add3A_8, %dma_start3A] : memref<10000x128xf32, #tpu.memory_space<vmem_shared>> -> memref<128x128xf32, #tpu.memory_space<vmem_shared>>
      %dma_start3A_58 = arith.constant 0 : i32
      %dma_start3A_59 = tpu.memref_slice %arg6[%add3A_8, %dma_start3A_58] : memref<10000x128xf32, #tpu.memory_space<vmem_shared>> -> memref<128x128xf32, #tpu.memory_space<vmem_shared>>
      tpu.enqueue_dma source(%arg7 : memref<128x128xf32, #tpu.memory_space<vmem>>) target(%dma_start3A_59 : memref<128x128xf32, #tpu.memory_space<vmem_shared>>) target_semaphore(%run_scoped3A : memref<!tpu.dma_semaphore, #tpu.memory_space<semaphore_mem>>)
      %dma_wait3A = arith.constant 0 : i32
      %dma_wait3A_60 = tpu.memref_slice %arg6[%add3A_8, %dma_wait3A] : memref<10000x128xf32, #tpu.memory_space<vmem_shared>> -> memref<128x128xf32, #tpu.memory_space<vmem_shared>>
      %dma_wait3A_61 = arith.constant 0 : i32
      %dma_wait3A_62 = tpu.memref_slice %arg6[%add3A_8, %dma_wait3A_61] : memref<10000x128xf32, #tpu.memory_space<vmem_shared>> -> memref<128x128xf32, #tpu.memory_space<vmem_shared>>
      tpu.wait_dma2 semaphore(%run_scoped3A : memref<!tpu.dma_semaphore, #tpu.memory_space<semaphore_mem>>) src(%arg7 : memref<128x128xf32, #tpu.memory_space<vmem>>) dst(%dma_wait3A_62 : memref<128x128xf32, #tpu.memory_space<vmem_shared>>)
      tpu.yield
    }) : () -> ()
    %add3A_9 = arith.constant 128 : i32
    %add3A_10 = arith.addi %mul3A_7, %add3A_9 : i32
    "tpu.region"() ({
      %run_scoped3A = tpu.sem_alloc : memref<!tpu.dma_semaphore, #tpu.memory_space<semaphore_mem>>
      %dma_start3A = arith.constant 0 : i32
      %dma_start3A_57 = tpu.memref_slice %arg6[%add3A_10, %dma_start3A] : memref<10000x128xf32, #tpu.memory_space<vmem_shared>> -> memref<128x128xf32, #tpu.memory_space<vmem_shared>>
      %dma_start3A_58 = arith.constant 0 : i32
      %dma_start3A_59 = tpu.memref_slice %arg6[%add3A_10, %dma_start3A_58] : memref<10000x128xf32, #tpu.memory_space<vmem_shared>> -> memref<128x128xf32, #tpu.memory_space<vmem_shared>>
      tpu.enqueue_dma source(%arg7 : memref<128x128xf32, #tpu.memory_space<vmem>>) target(%dma_start3A_59 : memref<128x128xf32, #tpu.memory_space<vmem_shared>>) target_semaphore(%run_scoped3A : memref<!tpu.dma_semaphore, #tpu.memory_space<semaphore_mem>>)
      %dma_wait3A = arith.constant 0 : i32
      %dma_wait3A_60 = tpu.memref_slice %arg6[%add3A_10, %dma_wait3A] : memref<10000x128xf32, #tpu.memory_space<vmem_shared>> -> memref<128x128xf32, #tpu.memory_space<vmem_shared>>
      %dma_wait3A_61 = arith.constant 0 : i32
      %dma_wait3A_62 = tpu.memref_slice %arg6[%add3A_10, %dma_wait3A_61] : memref<10000x128xf32, #tpu.memory_space<vmem_shared>> -> memref<128x128xf32, #tpu.memory_space<vmem_shared>>
      tpu.wait_dma2 semaphore(%run_scoped3A : memref<!tpu.dma_semaphore, #tpu.memory_space<semaphore_mem>>) src(%arg7 : memref<128x128xf32, #tpu.memory_space<vmem>>) dst(%dma_wait3A_62 : memref<128x128xf32, #tpu.memory_space<vmem_shared>>)
      tpu.yield
    }) : () -> ()
    %add3A_11 = arith.constant 256 : i32
    %add3A_12 = arith.addi %mul3A_7, %add3A_11 : i32
    "tpu.region"() ({
      %run_scoped3A = tpu.sem_alloc : memref<!tpu.dma_semaphore, #tpu.memory_space<semaphore_mem>>
      %dma_start3A = arith.constant 0 : i32
      %dma_start3A_57 = tpu.memref_slice %arg6[%add3A_12, %dma_start3A] : memref<10000x128xf32, #tpu.memory_space<vmem_shared>> -> memref<128x128xf32, #tpu.memory_space<vmem_shared>>
      %dma_start3A_58 = arith.constant 0 : i32
      %dma_start3A_59 = tpu.memref_slice %arg6[%add3A_12, %dma_start3A_58] : memref<10000x128xf32, #tpu.memory_space<vmem_shared>> -> memref<128x128xf32, #tpu.memory_space<vmem_shared>>
      tpu.enqueue_dma source(%arg7 : memref<128x128xf32, #tpu.memory_space<vmem>>) target(%dma_start3A_59 : memref<128x128xf32, #tpu.memory_space<vmem_shared>>) target_semaphore(%run_scoped3A : memref<!tpu.dma_semaphore, #tpu.memory_space<semaphore_mem>>)
      %dma_wait3A = arith.constant 0 : i32
      %dma_wait3A_60 = tpu.memref_slice %arg6[%add3A_12, %dma_wait3A] : memref<10000x128xf32, #tpu.memory_space<vmem_shared>> -> memref<128x128xf32, #tpu.memory_space<vmem_shared>>
      %dma_wait3A_61 = arith.constant 0 : i32
      %dma_wait3A_62 = tpu.memref_slice %arg6[%add3A_12, %dma_wait3A_61] : memref<10000x128xf32, #tpu.memory_space<vmem_shared>> -> memref<128x128xf32, #tpu.memory_space<vmem_shared>>
      tpu.wait_dma2 semaphore(%run_scoped3A : memref<!tpu.dma_semaphore, #tpu.memory_space<semaphore_mem>>) src(%arg7 : memref<128x128xf32, #tpu.memory_space<vmem>>) dst(%dma_wait3A_62 : memref<128x128xf32, #tpu.memory_space<vmem_shared>>)
      tpu.yield
    }) : () -> ()
    %add3A_13 = arith.constant 384 : i32
    %add3A_14 = arith.addi %mul3A_7, %add3A_13 : i32
    "tpu.region"() ({
      %run_scoped3A = tpu.sem_alloc : memref<!tpu.dma_semaphore, #tpu.memory_space<semaphore_mem>>
      %dma_start3A = arith.constant 0 : i32
      %dma_start3A_57 = tpu.memref_slice %arg6[%add3A_14, %dma_start3A] : memref<10000x128xf32, #tpu.memory_space<vmem_shared>> -> memref<128x128xf32, #tpu.memory_space<vmem_shared>>
      %dma_start3A_58 = arith.constant 0 : i32
      %dma_start3A_59 = tpu.memref_slice %arg6[%add3A_14, %dma_start3A_58] : memref<10000x128xf32, #tpu.memory_space<vmem_shared>> -> memref<128x128xf32, #tpu.memory_space<vmem_shared>>
      tpu.enqueue_dma source(%arg7 : memref<128x128xf32, #tpu.memory_space<vmem>>) target(%dma_start3A_59 : memref<128x128xf32, #tpu.memory_space<vmem_shared>>) target_semaphore(%run_scoped3A : memref<!tpu.dma_semaphore, #tpu.memory_space<semaphore_mem>>)
      %dma_wait3A = arith.constant 0 : i32
      %dma_wait3A_60 = tpu.memref_slice %arg6[%add3A_14, %dma_wait3A] : memref<10000x128xf32, #tpu.memory_space<vmem_shared>> -> memref<128x128xf32, #tpu.memory_space<vmem_shared>>
      %dma_wait3A_61 = arith.constant 0 : i32
      %dma_wait3A_62 = tpu.memref_slice %arg6[%add3A_14, %dma_wait3A_61] : memref<10000x128xf32, #tpu.memory_space<vmem_shared>> -> memref<128x128xf32, #tpu.memory_space<vmem_shared>>
      tpu.wait_dma2 semaphore(%run_scoped3A : memref<!tpu.dma_semaphore, #tpu.memory_space<semaphore_mem>>) src(%arg7 : memref<128x128xf32, #tpu.memory_space<vmem>>) dst(%dma_wait3A_62 : memref<128x128xf32, #tpu.memory_space<vmem_shared>>)
      tpu.yield
    }) : () -> ()
    %eq3A = arith.constant 15 : i32
    %eq3A_15 = arith.cmpi eq, %arg1, %eq3A : i32
    %convert_element_type3A = arith.extui %eq3A_15 : i1 to i32
    %cond3A = arith.constant 0 : i32
    %cond3A_16 = arith.cmpi ne, %convert_element_type3A, %cond3A : i32
    scf.if %cond3A_16 {
      %add3A_57 = arith.constant 512 : i32
      %add3A_58 = arith.addi %mul3A_7, %add3A_57 : i32
      "tpu.region"() ({
        %run_scoped3A = tpu.sem_alloc : memref<!tpu.dma_semaphore, #tpu.memory_space<semaphore_mem>>
        %dma_start3A = arith.constant 0 : i32
        %dma_start3A_59 = tpu.memref_slice %arg6[%add3A_58, %dma_start3A] : memref<10000x128xf32, #tpu.memory_space<vmem_shared>> -> memref<128x128xf32, #tpu.memory_space<vmem_shared>>
        %dma_start3A_60 = arith.constant 0 : i32
        %dma_start3A_61 = tpu.memref_slice %arg6[%add3A_58, %dma_start3A_60] : memref<10000x128xf32, #tpu.memory_space<vmem_shared>> -> memref<128x128xf32, #tpu.memory_space<vmem_shared>>
        tpu.enqueue_dma source(%arg7 : memref<128x128xf32, #tpu.memory_space<vmem>>) target(%dma_start3A_61 : memref<128x128xf32, #tpu.memory_space<vmem_shared>>) target_semaphore(%run_scoped3A : memref<!tpu.dma_semaphore, #tpu.memory_space<semaphore_mem>>)
        %dma_wait3A = arith.constant 0 : i32
        %dma_wait3A_62 = tpu.memref_slice %arg6[%add3A_58, %dma_wait3A] : memref<10000x128xf32, #tpu.memory_space<vmem_shared>> -> memref<128x128xf32, #tpu.memory_space<vmem_shared>>
        %dma_wait3A_63 = arith.constant 0 : i32
        %dma_wait3A_64 = tpu.memref_slice %arg6[%add3A_58, %dma_wait3A_63] : memref<10000x128xf32, #tpu.memory_space<vmem_shared>> -> memref<128x128xf32, #tpu.memory_space<vmem_shared>>
        tpu.wait_dma2 semaphore(%run_scoped3A : memref<!tpu.dma_semaphore, #tpu.memory_space<semaphore_mem>>) src(%arg7 : memref<128x128xf32, #tpu.memory_space<vmem>>) dst(%dma_wait3A_64 : memref<128x128xf32, #tpu.memory_space<vmem_shared>>)
        tpu.yield
      }) : () -> ()
    } else {
    }
    %ne3A = arith.constant 15 : i32
    %ne3A_17 = arith.cmpi ne, %arg1, %ne3A : i32
    %convert_element_type3A_18 = arith.extui %ne3A_17 : i1 to i32
    %cond3A_19 = arith.constant 0 : i32
    %cond3A_20 = arith.cmpi ne, %convert_element_type3A_18, %cond3A_19 : i32
    scf.if %cond3A_20 {
      %add3A_57 = arith.constant 512 : i32
      %add3A_58 = arith.addi %mul3A_7, %add3A_57 : i32
      "tpu.region"() ({
        %run_scoped3A = tpu.sem_alloc : memref<!tpu.dma_semaphore, #tpu.memory_space<semaphore_mem>>
        %dma_start3A = arith.constant 0 : i32
        %dma_start3A_59 = arith.constant 0 : i32
        %dma_start3A_60 = tpu.memref_slice %arg7[%dma_start3A, %dma_start3A_59] : memref<128x128xf32, #tpu.memory_space<vmem>> -> memref<112x128xf32, #tpu.memory_space<vmem>>
        %dma_start3A_61 = arith.constant 0 : i32
        %dma_start3A_62 = tpu.memref_slice %arg6[%add3A_58, %dma_start3A_61] : memref<10000x128xf32, #tpu.memory_space<vmem_shared>> -> memref<112x128xf32, #tpu.memory_space<vmem_shared>>
        %dma_start3A_63 = arith.constant 0 : i32
        %dma_start3A_64 = tpu.memref_slice %arg6[%add3A_58, %dma_start3A_63] : memref<10000x128xf32, #tpu.memory_space<vmem_shared>> -> memref<112x128xf32, #tpu.memory_space<vmem_shared>>
        %dma_start3A_65 = arith.constant 0 : i32
        %dma_start3A_66 = arith.constant 0 : i32
        %dma_start3A_67 = tpu.memref_slice %arg7[%dma_start3A_65, %dma_start3A_66] : memref<128x128xf32, #tpu.memory_space<vmem>> -> memref<112x128xf32, #tpu.memory_space<vmem>>
        tpu.enqueue_dma source(%dma_start3A_67 : memref<112x128xf32, #tpu.memory_space<vmem>>) target(%dma_start3A_64 : memref<112x128xf32, #tpu.memory_space<vmem_shared>>) target_semaphore(%run_scoped3A : memref<!tpu.dma_semaphore, #tpu.memory_space<semaphore_mem>>)
        %dma_wait3A = arith.constant 0 : i32
        %dma_wait3A_68 = arith.constant 0 : i32
        %dma_wait3A_69 = tpu.memref_slice %arg7[%dma_wait3A, %dma_wait3A_68] : memref<128x128xf32, #tpu.memory_space<vmem>> -> memref<112x128xf32, #tpu.memory_space<vmem>>
        %dma_wait3A_70 = arith.constant 0 : i32
        %dma_wait3A_71 = tpu.memref_slice %arg6[%add3A_58, %dma_wait3A_70] : memref<10000x128xf32, #tpu.memory_space<vmem_shared>> -> memref<112x128xf32, #tpu.memory_space<vmem_shared>>
        %dma_wait3A_72 = arith.constant 0 : i32
        %dma_wait3A_73 = tpu.memref_slice %arg6[%add3A_58, %dma_wait3A_72] : memref<10000x128xf32, #tpu.memory_space<vmem_shared>> -> memref<112x128xf32, #tpu.memory_space<vmem_shared>>
        %dma_wait3A_74 = arith.constant 0 : i32
        %dma_wait3A_75 = arith.constant 0 : i32
        %dma_wait3A_76 = tpu.memref_slice %arg7[%dma_wait3A_74, %dma_wait3A_75] : memref<128x128xf32, #tpu.memory_space<vmem>> -> memref<112x128xf32, #tpu.memory_space<vmem>>
        tpu.wait_dma2 semaphore(%run_scoped3A : memref<!tpu.dma_semaphore, #tpu.memory_space<semaphore_mem>>) src(%dma_wait3A_76 : memref<112x128xf32, #tpu.memory_space<vmem>>) dst(%dma_wait3A_73 : memref<112x128xf32, #tpu.memory_space<vmem_shared>>)
        tpu.yield
      }) : () -> ()
    } else {
    }
    %barrier3A = arith.constant 0 : index
    tpu.barrier barrier_id(%barrier3A)
    %lt3A = arith.constant 2 : i32
    %lt3A_21 = arith.cmpi slt, %arg1, %lt3A : i32
    %jit3A = arith.constant 1 : i32
    %jit3A_22 = arith.constant 0 : i32
    %select_n3A = arith.select %lt3A_21, %jit3A, %jit3A_22 : i32
    %add3A_23 = arith.constant 78 : i32
    %add3A_24 = arith.addi %add3A_23, %select_n3A : i32
    %add3A_25 = arith.constant 0 : i32
    %add3A_26 = arith.addi %arg1, %add3A_25 : i32
    %eq3A_27 = arith.constant 0 : i32
    %eq3A_28 = arith.cmpi eq, %arg0, %eq3A_27 : i32
    %convert_element_type3A_29 = arith.extui %eq3A_28 : i1 to i32
    %cond3A_30 = arith.constant 0 : i32
    %cond3A_31 = arith.cmpi ne, %convert_element_type3A_29, %cond3A_30 : i32
    scf.if %cond3A_31 {
      %mul3A_57 = arith.constant 128 : i32
      %mul3A_58 = arith.muli %add3A_26, %mul3A_57 : i32
      %dma_start3A = tpu.memref_slice %arg3[%mul3A_58] : memref<160000xi32, #tpu.memory_space<hbm>> -> memref<128xi32, #tpu.memory_space<hbm>>
      %dma_start3A_59 = tpu.memref_slice %arg3[%mul3A_58] : memref<160000xi32, #tpu.memory_space<hbm>> -> memref<128xi32, #tpu.memory_space<hbm>>
      tpu.enqueue_dma source(%dma_start3A_59 : memref<128xi32, #tpu.memory_space<hbm>>) target(%arg9 : memref<128xi32, #tpu.memory_space<vmem>>) target_semaphore(%arg11 : memref<!tpu.dma_semaphore, #tpu.memory_space<semaphore_mem>>)
      %mul3A_60 = arith.constant 128 : i32
      %mul3A_61 = arith.muli %add3A_26, %mul3A_60 : i32
      %dma_start3A_62 = arith.constant 128 : i32
      %dma_start3A_63 = tpu.memref_slice %arg2[%mul3A_61, %dma_start3A_62] : memref<160000x256xf32, #tpu.memory_space<hbm>> -> memref<128x128xf32, #tpu.memory_space<hbm>>
      %dma_start3A_64 = arith.constant 128 : i32
      %dma_start3A_65 = tpu.memref_slice %arg2[%mul3A_61, %dma_start3A_64] : memref<160000x256xf32, #tpu.memory_space<hbm>> -> memref<128x128xf32, #tpu.memory_space<hbm>>
      tpu.enqueue_dma source(%dma_start3A_65 : memref<128x128xf32, #tpu.memory_space<hbm>>) target(%arg7 : memref<128x128xf32, #tpu.memory_space<vmem>>) target_semaphore(%arg11 : memref<!tpu.dma_semaphore, #tpu.memory_space<semaphore_mem>>)
    } else {
    }
    %eq3A_32 = arith.constant 1 : i32
    %eq3A_33 = arith.cmpi eq, %arg0, %eq3A_32 : i32
    %convert_element_type3A_34 = arith.extui %eq3A_33 : i1 to i32
    %cond3A_35 = arith.constant 0 : i32
    %cond3A_36 = arith.cmpi ne, %convert_element_type3A_34, %cond3A_35 : i32
    scf.if %cond3A_36 {
      %mul3A_57 = arith.constant 128 : i32
      %mul3A_58 = arith.muli %add3A_26, %mul3A_57 : i32
      %dma_start3A = tpu.memref_slice %arg4[%mul3A_58] : memref<160000xi32, #tpu.memory_space<hbm>> -> memref<128xi32, #tpu.memory_space<hbm>>
      %dma_start3A_59 = tpu.memref_slice %arg4[%mul3A_58] : memref<160000xi32, #tpu.memory_space<hbm>> -> memref<128xi32, #tpu.memory_space<hbm>>
      tpu.enqueue_dma source(%dma_start3A_59 : memref<128xi32, #tpu.memory_space<hbm>>) target(%arg9 : memref<128xi32, #tpu.memory_space<vmem>>) target_semaphore(%arg11 : memref<!tpu.dma_semaphore, #tpu.memory_space<semaphore_mem>>)
      %mul3A_60 = arith.constant 128 : i32
      %mul3A_61 = arith.muli %add3A_26, %mul3A_60 : i32
      %dma_start3A_62 = arith.constant 0 : i32
      %dma_start3A_63 = tpu.memref_slice %arg2[%mul3A_61, %dma_start3A_62] : memref<160000x256xf32, #tpu.memory_space<hbm>> -> memref<128x128xf32, #tpu.memory_space<hbm>>
      %dma_start3A_64 = arith.constant 0 : i32
      %dma_start3A_65 = tpu.memref_slice %arg2[%mul3A_61, %dma_start3A_64] : memref<160000x256xf32, #tpu.memory_space<hbm>> -> memref<128x128xf32, #tpu.memory_space<hbm>>
      tpu.enqueue_dma source(%dma_start3A_65 : memref<128x128xf32, #tpu.memory_space<hbm>>) target(%arg7 : memref<128x128xf32, #tpu.memory_space<vmem>>) target_semaphore(%arg11 : memref<!tpu.dma_semaphore, #tpu.memory_space<semaphore_mem>>)
    } else {
    }
    %scan3A_37 = arith.constant 0 : i32
    %scan3A_38 = arith.constant 0 : i32
    %scan3A_39 = arith.constant 40 : i32
    %scan3A_40 = arith.addi %scan3A_38, %scan3A_39 : i32
    %scan3A_41 = arith.constant 1 : i32
    %scan3A_42 = scf.for %scan3A_57 = %scan3A_38 to %scan3A_40 step %scan3A_41 iter_args(%scan3A_58 = %scan3A_37) -> (i32)  : i32 {
      %mul3A_59 = arith.constant 2 : i32
      %mul3A_60 = arith.muli %mul3A_59, %scan3A_57 : i32
      %add3A_61 = arith.constant 0 : i32
      %add3A_62 = arith.addi %mul3A_60, %add3A_61 : i32
      %add3A_63 = arith.constant 1 : i32
      %add3A_64 = arith.addi %add3A_62, %add3A_63 : i32
      %lt3A_65 = arith.cmpi slt, %add3A_64, %add3A_24 : i32
      %convert_element_type3A_66 = arith.extui %lt3A_65 : i1 to i32
      %cond3A_67 = arith.constant 0 : i32
      %cond3A_68 = arith.cmpi ne, %convert_element_type3A_66, %cond3A_67 : i32
      scf.if %cond3A_68 {
        %add3A_88 = arith.constant 1 : i32
        %add3A_89 = arith.addi %add3A_62, %add3A_88 : i32
        %mul3A_90 = arith.constant 16 : i32
        %mul3A_91 = arith.muli %mul3A_90, %add3A_89 : i32
        %add3A_92 = arith.addi %arg1, %mul3A_91 : i32
        %eq3A_93 = arith.constant 0 : i32
        %eq3A_94 = arith.cmpi eq, %arg0, %eq3A_93 : i32
        %convert_element_type3A_95 = arith.extui %eq3A_94 : i1 to i32
        %cond3A_96 = arith.constant 0 : i32
        %cond3A_97 = arith.cmpi ne, %convert_element_type3A_95, %cond3A_96 : i32
        scf.if %cond3A_97 {
          %mul3A_103 = arith.constant 128 : i32
          %mul3A_104 = arith.muli %add3A_92, %mul3A_103 : i32
          %dma_start3A = tpu.memref_slice %arg3[%mul3A_104] : memref<160000xi32, #tpu.memory_space<hbm>> -> memref<128xi32, #tpu.memory_space<hbm>>
          %dma_start3A_105 = tpu.memref_slice %arg3[%mul3A_104] : memref<160000xi32, #tpu.memory_space<hbm>> -> memref<128xi32, #tpu.memory_space<hbm>>
          tpu.enqueue_dma source(%dma_start3A_105 : memref<128xi32, #tpu.memory_space<hbm>>) target(%arg10 : memref<128xi32, #tpu.memory_space<vmem>>) target_semaphore(%arg12 : memref<!tpu.dma_semaphore, #tpu.memory_space<semaphore_mem>>)
          %mul3A_106 = arith.constant 128 : i32
          %mul3A_107 = arith.muli %add3A_92, %mul3A_106 : i32
          %dma_start3A_108 = arith.constant 128 : i32
          %dma_start3A_109 = tpu.memref_slice %arg2[%mul3A_107, %dma_start3A_108] : memref<160000x256xf32, #tpu.memory_space<hbm>> -> memref<128x128xf32, #tpu.memory_space<hbm>>
          %dma_start3A_110 = arith.constant 128 : i32
          %dma_start3A_111 = tpu.memref_slice %arg2[%mul3A_107, %dma_start3A_110] : memref<160000x256xf32, #tpu.memory_space<hbm>> -> memref<128x128xf32, #tpu.memory_space<hbm>>
          tpu.enqueue_dma source(%dma_start3A_111 : memref<128x128xf32, #tpu.memory_space<hbm>>) target(%arg8 : memref<128x128xf32, #tpu.memory_space<vmem>>) target_semaphore(%arg12 : memref<!tpu.dma_semaphore, #tpu.memory_space<semaphore_mem>>)
        } else {
        }
        %eq3A_98 = arith.constant 1 : i32
        %eq3A_99 = arith.cmpi eq, %arg0, %eq3A_98 : i32
        %convert_element_type3A_100 = arith.extui %eq3A_99 : i1 to i32
        %cond3A_101 = arith.constant 0 : i32
        %cond3A_102 = arith.cmpi ne, %convert_element_type3A_100, %cond3A_101 : i32
        scf.if %cond3A_102 {
          %mul3A_103 = arith.constant 128 : i32
          %mul3A_104 = arith.muli %add3A_92, %mul3A_103 : i32
          %dma_start3A = tpu.memref_slice %arg4[%mul3A_104] : memref<160000xi32, #tpu.memory_space<hbm>> -> memref<128xi32, #tpu.memory_space<hbm>>
          %dma_start3A_105 = tpu.memref_slice %arg4[%mul3A_104] : memref<160000xi32, #tpu.memory_space<hbm>> -> memref<128xi32, #tpu.memory_space<hbm>>
          tpu.enqueue_dma source(%dma_start3A_105 : memref<128xi32, #tpu.memory_space<hbm>>) target(%arg10 : memref<128xi32, #tpu.memory_space<vmem>>) target_semaphore(%arg12 : memref<!tpu.dma_semaphore, #tpu.memory_space<semaphore_mem>>)
          %mul3A_106 = arith.constant 128 : i32
          %mul3A_107 = arith.muli %add3A_92, %mul3A_106 : i32
          %dma_start3A_108 = arith.constant 0 : i32
          %dma_start3A_109 = tpu.memref_slice %arg2[%mul3A_107, %dma_start3A_108] : memref<160000x256xf32, #tpu.memory_space<hbm>> -> memref<128x128xf32, #tpu.memory_space<hbm>>
          %dma_start3A_110 = arith.constant 0 : i32
          %dma_start3A_111 = tpu.memref_slice %arg2[%mul3A_107, %dma_start3A_110] : memref<160000x256xf32, #tpu.memory_space<hbm>> -> memref<128x128xf32, #tpu.memory_space<hbm>>
          tpu.enqueue_dma source(%dma_start3A_111 : memref<128x128xf32, #tpu.memory_space<hbm>>) target(%arg8 : memref<128x128xf32, #tpu.memory_space<vmem>>) target_semaphore(%arg12 : memref<!tpu.dma_semaphore, #tpu.memory_space<semaphore_mem>>)
        } else {
        }
      } else {
      }
      %lt3A_69 = arith.cmpi slt, %add3A_62, %add3A_24 : i32
      %convert_element_type3A_70 = arith.extui %lt3A_69 : i1 to i32
      %cond3A_71 = arith.constant 0 : i32
      %cond3A_72 = arith.cmpi ne, %convert_element_type3A_70, %cond3A_71 : i32
      scf.if %cond3A_72 {
        %dma_wait3A = arith.constant 0 : i32
        %dma_wait3A_88 = tpu.memref_slice %arg3[%dma_wait3A] : memref<160000xi32, #tpu.memory_space<hbm>> -> memref<128xi32, #tpu.memory_space<hbm>>
        %dma_wait3A_89 = arith.constant 0 : i32
        %dma_wait3A_90 = tpu.memref_slice %arg3[%dma_wait3A_89] : memref<160000xi32, #tpu.memory_space<hbm>> -> memref<128xi32, #tpu.memory_space<hbm>>
        tpu.wait_dma2 semaphore(%arg11 : memref<!tpu.dma_semaphore, #tpu.memory_space<semaphore_mem>>) src(%dma_wait3A_90 : memref<128xi32, #tpu.memory_space<hbm>>) dst(%arg9 : memref<128xi32, #tpu.memory_space<vmem>>)
        %dma_wait3A_91 = arith.constant 0 : i32
        %dma_wait3A_92 = arith.constant 0 : i32
        %dma_wait3A_93 = tpu.memref_slice %arg2[%dma_wait3A_91, %dma_wait3A_92] : memref<160000x256xf32, #tpu.memory_space<hbm>> -> memref<128x128xf32, #tpu.memory_space<hbm>>
        %dma_wait3A_94 = arith.constant 0 : i32
        %dma_wait3A_95 = arith.constant 0 : i32
        %dma_wait3A_96 = tpu.memref_slice %arg2[%dma_wait3A_94, %dma_wait3A_95] : memref<160000x256xf32, #tpu.memory_space<hbm>> -> memref<128x128xf32, #tpu.memory_space<hbm>>
        tpu.wait_dma2 semaphore(%arg11 : memref<!tpu.dma_semaphore, #tpu.memory_space<semaphore_mem>>) src(%dma_wait3A_96 : memref<128x128xf32, #tpu.memory_space<hbm>>) dst(%arg7 : memref<128x128xf32, #tpu.memory_space<vmem>>)
        %dma_start3A = arith.constant 0 : i32
        %dma_start3A_97 = arith.constant 0 : i32
        %dma_start3A_98 = tpu.memref_slice %arg6[%dma_start3A, %dma_start3A_97] : memref<10000x128xf32, #tpu.memory_space<vmem_shared>> -> memref<10000x128xf32, #tpu.memory_space<vmem_shared>>
        tpu.enqueue_indirect_dma source(%arg7 : memref<128x128xf32, #tpu.memory_space<vmem>>) target(%dma_start3A_98 : memref<10000x128xf32, #tpu.memory_space<vmem_shared>>) offsets(%arg9 : memref<128xi32, #tpu.memory_space<vmem>>) semaphore(%arg13 : memref<!tpu.dma_semaphore, #tpu.memory_space<semaphore_mem>>) {add = true}
        %dma_wait3A_99 = arith.constant 0 : i32
        %dma_wait3A_100 = arith.constant 0 : i32
        %dma_wait3A_101 = tpu.memref_slice %arg6[%dma_wait3A_99, %dma_wait3A_100] : memref<10000x128xf32, #tpu.memory_space<vmem_shared>> -> memref<10000x128xf32, #tpu.memory_space<vmem_shared>>
        tpu.wait_indirect_dma semaphore(%arg13 : memref<!tpu.dma_semaphore, #tpu.memory_space<semaphore_mem>>) src(%arg7 : memref<128x128xf32, #tpu.memory_space<vmem>>) dst(%dma_wait3A_101 : memref<10000x128xf32, #tpu.memory_space<vmem_shared>>)
      } else {
      }
      %mul3A_73 = arith.constant 2 : i32
      %mul3A_74 = arith.muli %mul3A_73, %scan3A_57 : i32
      %add3A_75 = arith.constant 1 : i32
      %add3A_76 = arith.addi %mul3A_74, %add3A_75 : i32
      %add3A_77 = arith.constant 1 : i32
      %add3A_78 = arith.addi %add3A_76, %add3A_77 : i32
      %lt3A_79 = arith.cmpi slt, %add3A_78, %add3A_24 : i32
      %convert_element_type3A_80 = arith.extui %lt3A_79 : i1 to i32
      %cond3A_81 = arith.constant 0 : i32
      %cond3A_82 = arith.cmpi ne, %convert_element_type3A_80, %cond3A_81 : i32
      scf.if %cond3A_82 {
        %add3A_88 = arith.constant 1 : i32
        %add3A_89 = arith.addi %add3A_76, %add3A_88 : i32
        %mul3A_90 = arith.constant 16 : i32
        %mul3A_91 = arith.muli %mul3A_90, %add3A_89 : i32
        %add3A_92 = arith.addi %arg1, %mul3A_91 : i32
        %eq3A_93 = arith.constant 0 : i32
        %eq3A_94 = arith.cmpi eq, %arg0, %eq3A_93 : i32
        %convert_element_type3A_95 = arith.extui %eq3A_94 : i1 to i32
        %cond3A_96 = arith.constant 0 : i32
        %cond3A_97 = arith.cmpi ne, %convert_element_type3A_95, %cond3A_96 : i32
        scf.if %cond3A_97 {
          %mul3A_103 = arith.constant 128 : i32
          %mul3A_104 = arith.muli %add3A_92, %mul3A_103 : i32
          %dma_start3A = tpu.memref_slice %arg3[%mul3A_104] : memref<160000xi32, #tpu.memory_space<hbm>> -> memref<128xi32, #tpu.memory_space<hbm>>
          %dma_start3A_105 = tpu.memref_slice %arg3[%mul3A_104] : memref<160000xi32, #tpu.memory_space<hbm>> -> memref<128xi32, #tpu.memory_space<hbm>>
          tpu.enqueue_dma source(%dma_start3A_105 : memref<128xi32, #tpu.memory_space<hbm>>) target(%arg9 : memref<128xi32, #tpu.memory_space<vmem>>) target_semaphore(%arg11 : memref<!tpu.dma_semaphore, #tpu.memory_space<semaphore_mem>>)
          %mul3A_106 = arith.constant 128 : i32
          %mul3A_107 = arith.muli %add3A_92, %mul3A_106 : i32
          %dma_start3A_108 = arith.constant 128 : i32
          %dma_start3A_109 = tpu.memref_slice %arg2[%mul3A_107, %dma_start3A_108] : memref<160000x256xf32, #tpu.memory_space<hbm>> -> memref<128x128xf32, #tpu.memory_space<hbm>>
          %dma_start3A_110 = arith.constant 128 : i32
          %dma_start3A_111 = tpu.memref_slice %arg2[%mul3A_107, %dma_start3A_110] : memref<160000x256xf32, #tpu.memory_space<hbm>> -> memref<128x128xf32, #tpu.memory_space<hbm>>
          tpu.enqueue_dma source(%dma_start3A_111 : memref<128x128xf32, #tpu.memory_space<hbm>>) target(%arg7 : memref<128x128xf32, #tpu.memory_space<vmem>>) target_semaphore(%arg11 : memref<!tpu.dma_semaphore, #tpu.memory_space<semaphore_mem>>)
        } else {
        }
        %eq3A_98 = arith.constant 1 : i32
        %eq3A_99 = arith.cmpi eq, %arg0, %eq3A_98 : i32
        %convert_element_type3A_100 = arith.extui %eq3A_99 : i1 to i32
        %cond3A_101 = arith.constant 0 : i32
        %cond3A_102 = arith.cmpi ne, %convert_element_type3A_100, %cond3A_101 : i32
        scf.if %cond3A_102 {
          %mul3A_103 = arith.constant 128 : i32
          %mul3A_104 = arith.muli %add3A_92, %mul3A_103 : i32
          %dma_start3A = tpu.memref_slice %arg4[%mul3A_104] : memref<160000xi32, #tpu.memory_space<hbm>> -> memref<128xi32, #tpu.memory_space<hbm>>
          %dma_start3A_105 = tpu.memref_slice %arg4[%mul3A_104] : memref<160000xi32, #tpu.memory_space<hbm>> -> memref<128xi32, #tpu.memory_space<hbm>>
          tpu.enqueue_dma source(%dma_start3A_105 : memref<128xi32, #tpu.memory_space<hbm>>) target(%arg9 : memref<128xi32, #tpu.memory_space<vmem>>) target_semaphore(%arg11 : memref<!tpu.dma_semaphore, #tpu.memory_space<semaphore_mem>>)
          %mul3A_106 = arith.constant 128 : i32
          %mul3A_107 = arith.muli %add3A_92, %mul3A_106 : i32
          %dma_start3A_108 = arith.constant 0 : i32
          %dma_start3A_109 = tpu.memref_slice %arg2[%mul3A_107, %dma_start3A_108] : memref<160000x256xf32, #tpu.memory_space<hbm>> -> memref<128x128xf32, #tpu.memory_space<hbm>>
          %dma_start3A_110 = arith.constant 0 : i32
          %dma_start3A_111 = tpu.memref_slice %arg2[%mul3A_107, %dma_start3A_110] : memref<160000x256xf32, #tpu.memory_space<hbm>> -> memref<128x128xf32, #tpu.memory_space<hbm>>
          tpu.enqueue_dma source(%dma_start3A_111 : memref<128x128xf32, #tpu.memory_space<hbm>>) target(%arg7 : memref<128x128xf32, #tpu.memory_space<vmem>>) target_semaphore(%arg11 : memref<!tpu.dma_semaphore, #tpu.memory_space<semaphore_mem>>)
        } else {
        }
      } else {
      }
      %lt3A_83 = arith.cmpi slt, %add3A_76, %add3A_24 : i32
      %convert_element_type3A_84 = arith.extui %lt3A_83 : i1 to i32
      %cond3A_85 = arith.constant 0 : i32
      %cond3A_86 = arith.cmpi ne, %convert_element_type3A_84, %cond3A_85 : i32
      scf.if %cond3A_86 {
        %dma_wait3A = arith.constant 0 : i32
        %dma_wait3A_88 = tpu.memref_slice %arg3[%dma_wait3A] : memref<160000xi32, #tpu.memory_space<hbm>> -> memref<128xi32, #tpu.memory_space<hbm>>
        %dma_wait3A_89 = arith.constant 0 : i32
        %dma_wait3A_90 = tpu.memref_slice %arg3[%dma_wait3A_89] : memref<160000xi32, #tpu.memory_space<hbm>> -> memref<128xi32, #tpu.memory_space<hbm>>
        tpu.wait_dma2 semaphore(%arg12 : memref<!tpu.dma_semaphore, #tpu.memory_space<semaphore_mem>>) src(%dma_wait3A_90 : memref<128xi32, #tpu.memory_space<hbm>>) dst(%arg10 : memref<128xi32, #tpu.memory_space<vmem>>)
        %dma_wait3A_91 = arith.constant 0 : i32
        %dma_wait3A_92 = arith.constant 0 : i32
        %dma_wait3A_93 = tpu.memref_slice %arg2[%dma_wait3A_91, %dma_wait3A_92] : memref<160000x256xf32, #tpu.memory_space<hbm>> -> memref<128x128xf32, #tpu.memory_space<hbm>>
        %dma_wait3A_94 = arith.constant 0 : i32
        %dma_wait3A_95 = arith.constant 0 : i32
        %dma_wait3A_96 = tpu.memref_slice %arg2[%dma_wait3A_94, %dma_wait3A_95] : memref<160000x256xf32, #tpu.memory_space<hbm>> -> memref<128x128xf32, #tpu.memory_space<hbm>>
        tpu.wait_dma2 semaphore(%arg12 : memref<!tpu.dma_semaphore, #tpu.memory_space<semaphore_mem>>) src(%dma_wait3A_96 : memref<128x128xf32, #tpu.memory_space<hbm>>) dst(%arg8 : memref<128x128xf32, #tpu.memory_space<vmem>>)
        %dma_start3A = arith.constant 0 : i32
        %dma_start3A_97 = arith.constant 0 : i32
        %dma_start3A_98 = tpu.memref_slice %arg6[%dma_start3A, %dma_start3A_97] : memref<10000x128xf32, #tpu.memory_space<vmem_shared>> -> memref<10000x128xf32, #tpu.memory_space<vmem_shared>>
        tpu.enqueue_indirect_dma source(%arg8 : memref<128x128xf32, #tpu.memory_space<vmem>>) target(%dma_start3A_98 : memref<10000x128xf32, #tpu.memory_space<vmem_shared>>) offsets(%arg10 : memref<128xi32, #tpu.memory_space<vmem>>) semaphore(%arg13 : memref<!tpu.dma_semaphore, #tpu.memory_space<semaphore_mem>>) {add = true}
        %dma_wait3A_99 = arith.constant 0 : i32
        %dma_wait3A_100 = arith.constant 0 : i32
        %dma_wait3A_101 = tpu.memref_slice %arg6[%dma_wait3A_99, %dma_wait3A_100] : memref<10000x128xf32, #tpu.memory_space<vmem_shared>> -> memref<10000x128xf32, #tpu.memory_space<vmem_shared>>
        tpu.wait_indirect_dma semaphore(%arg13 : memref<!tpu.dma_semaphore, #tpu.memory_space<semaphore_mem>>) src(%arg8 : memref<128x128xf32, #tpu.memory_space<vmem>>) dst(%dma_wait3A_101 : memref<10000x128xf32, #tpu.memory_space<vmem_shared>>)
      } else {
      }
      %scan3A_87 = arith.constant 0 : i32
      scf.yield %scan3A_87 : i32
    }
    %scan3A_43 = arith.constant 40 : i32
    %barrier3A_44 = arith.constant 0 : index
    tpu.barrier barrier_id(%barrier3A_44)
    %mul3A_45 = arith.constant 624 : i32
    %mul3A_46 = arith.muli %arg1, %mul3A_45 : i32
    %eq3A_47 = arith.constant 15 : i32
    %eq3A_48 = arith.cmpi eq, %arg1, %eq3A_47 : i32
    %convert_element_type3A_49 = arith.extui %eq3A_48 : i1 to i32
    %cond3A_50 = arith.constant 0 : i32
    %cond3A_51 = arith.cmpi ne, %convert_element_type3A_49, %cond3A_50 : i32
    scf.if %cond3A_51 {
      "tpu.region"() ({
        %run_scoped3A = tpu.sem_alloc : memref<!tpu.dma_semaphore, #tpu.memory_space<semaphore_mem>>
        %dma_start3A = arith.constant 0 : i32
        %dma_start3A_57 = tpu.memref_slice %arg5[%arg0, %mul3A_46, %dma_start3A] : memref<2x10000x128xf32, #tpu.memory_space<hbm>> -> memref<1x640x128xf32, #tpu.memory_space<hbm>>
        %dma_start3A_58 = tpu.memref_squeeze %dma_start3A_57 : memref<1x640x128xf32, #tpu.memory_space<hbm>> -> memref<640x128xf32, #tpu.memory_space<hbm>>
        %dma_start3A_59 = arith.constant 0 : i32
        %dma_start3A_60 = tpu.memref_slice %arg6[%mul3A_46, %dma_start3A_59] : memref<10000x128xf32, #tpu.memory_space<vmem_shared>> -> memref<640x128xf32, #tpu.memory_space<vmem_shared>>
        tpu.enqueue_dma source(%dma_start3A_60 : memref<640x128xf32, #tpu.memory_space<vmem_shared>>) target(%dma_start3A_58 : memref<640x128xf32, #tpu.memory_space<hbm>>) target_semaphore(%run_scoped3A : memref<!tpu.dma_semaphore, #tpu.memory_space<semaphore_mem>>)
        %dma_wait3A = arith.constant 0 : i32
        %dma_wait3A_61 = tpu.memref_slice %arg5[%arg0, %mul3A_46, %dma_wait3A] : memref<2x10000x128xf32, #tpu.memory_space<hbm>> -> memref<1x640x128xf32, #tpu.memory_space<hbm>>
        %dma_wait3A_62 = tpu.memref_squeeze %dma_wait3A_61 : memref<1x640x128xf32, #tpu.memory_space<hbm>> -> memref<640x128xf32, #tpu.memory_space<hbm>>
        %dma_wait3A_63 = arith.constant 0 : i32
        %dma_wait3A_64 = tpu.memref_slice %arg6[%mul3A_46, %dma_wait3A_63] : memref<10000x128xf32, #tpu.memory_space<vmem_shared>> -> memref<640x128xf32, #tpu.memory_space<vmem_shared>>
        tpu.wait_dma2 semaphore(%run_scoped3A : memref<!tpu.dma_semaphore, #tpu.memory_space<semaphore_mem>>) src(%dma_wait3A_64 : memref<640x128xf32, #tpu.memory_space<vmem_shared>>) dst(%dma_wait3A_62 : memref<640x128xf32, #tpu.memory_space<hbm>>)
        tpu.yield
      }) : () -> ()
    } else {
    }
    %ne3A_52 = arith.constant 15 : i32
    %ne3A_53 = arith.cmpi ne, %arg1, %ne3A_52 : i32
    %convert_element_type3A_54 = arith.extui %ne3A_53 : i1 to i32
    %cond3A_55 = arith.constant 0 : i32
    %cond3A_56 = arith.cmpi ne, %convert_element_type3A_54, %cond3A_55 : i32
    scf.if %cond3A_56 {
      "tpu.region"() ({
        %run_scoped3A = tpu.sem_alloc : memref<!tpu.dma_semaphore, #tpu.memory_space<semaphore_mem>>
        %dma_start3A = arith.constant 0 : i32
        %dma_start3A_57 = tpu.memref_slice %arg5[%arg0, %mul3A_46, %dma_start3A] : memref<2x10000x128xf32, #tpu.memory_space<hbm>> -> memref<1x624x128xf32, #tpu.memory_space<hbm>>
        %dma_start3A_58 = tpu.memref_squeeze %dma_start3A_57 : memref<1x624x128xf32, #tpu.memory_space<hbm>> -> memref<624x128xf32, #tpu.memory_space<hbm>>
        %dma_start3A_59 = arith.constant 0 : i32
        %dma_start3A_60 = tpu.memref_slice %arg6[%mul3A_46, %dma_start3A_59] : memref<10000x128xf32, #tpu.memory_space<vmem_shared>> -> memref<624x128xf32, #tpu.memory_space<vmem_shared>>
        tpu.enqueue_dma source(%dma_start3A_60 : memref<624x128xf32, #tpu.memory_space<vmem_shared>>) target(%dma_start3A_58 : memref<624x128xf32, #tpu.memory_space<hbm>>) target_semaphore(%run_scoped3A : memref<!tpu.dma_semaphore, #tpu.memory_space<semaphore_mem>>)
        %dma_wait3A = arith.constant 0 : i32
        %dma_wait3A_61 = tpu.memref_slice %arg5[%arg0, %mul3A_46, %dma_wait3A] : memref<2x10000x128xf32, #tpu.memory_space<hbm>> -> memref<1x624x128xf32, #tpu.memory_space<hbm>>
        %dma_wait3A_62 = tpu.memref_squeeze %dma_wait3A_61 : memref<1x624x128xf32, #tpu.memory_space<hbm>> -> memref<624x128xf32, #tpu.memory_space<hbm>>
        %dma_wait3A_63 = arith.constant 0 : i32
        %dma_wait3A_64 = tpu.memref_slice %arg6[%mul3A_46, %dma_wait3A_63] : memref<10000x128xf32, #tpu.memory_space<vmem_shared>> -> memref<624x128xf32, #tpu.memory_space<vmem_shared>>
        tpu.wait_dma2 semaphore(%run_scoped3A : memref<!tpu.dma_semaphore, #tpu.memory_space<semaphore_mem>>) src(%dma_wait3A_64 : memref<624x128xf32, #tpu.memory_space<vmem_shared>>) dst(%dma_wait3A_62 : memref<624x128xf32, #tpu.memory_space<hbm>>)
        tpu.yield
      }) : () -> ()
    } else {
    }
    return
  }
}

</mosaic_0001>

<sc_bundles>
// kernel: _node_scatter.3.cloned.1.call-start
scs
__scs_entry_jumppad:
0x0: {  	(pc) =	sbr.rel $0x88, $3  }
0x1: {  	(tag) =	ssettag $0x0;
	lr =	simm.s32 $0x1  }
0x2: {  	[smem:$0x3F9E] =	sst lr;
	_ =	strace $0xD0000000  }
0x3: {  	_ = 	snop  }
0x4: {  	_ = 	snop  }
0x5: {  	_ = 	snop  }
0x6: {  	_ = 	snop  }
0x7: {  	_ = 	snop  }
__scs_overlays_trampoline_lowered:
0x8: {  	[smem:$0x3FAD] =	sst s0  }
0x9: {  	[smem:$0x3FAE] =	sst s1  }
0xa: {  	[smem:$0x3FAF] =	sst s2  }
0xb: {  	[smem:$0x3FB0] =	sst s3  }
0xc: {  	[smem:$0x3FB1] =	sst s4  }
0xd: {  	[smem:$0x3FB2] =	sst s5  }
0xe: {  	[smem:$0x3FB3] =	sst s6  }
0xf: {  	[smem:$0x3FB4] =	sst s7  }
0x10: {  	[smem:$0x3FB5] =	sst s8  }
0x11: {  	[smem:$0x3FB6] =	sst s9;
	s0 =	simm.s32 @!p0 $0x0  }
0x12: {  	s1 =	sld [smem:$0x3F9C];
	s0 =	simm.s32 @p0 $0x1  }
0x13: {  	[smem:$0x3FB7] =	sst s0;
	s0 =	simm.s32 @!p1 $0x0  }
0x14: {  	s2 =	sld [smem:$0x3F9B];
	s0 =	simm.s32 @p1 $0x1  }
0x15: {  	[smem:$0x3FB8] =	sst s0;
	s0 =	simm.s32 @!p2 $0x0  }
0x16: {  	s3 =	sld [smem:$0x3FDB];
	s0 =	simm.s32 @p2 $0x1  }
0x17: {  	s4 =	simm.s32 $0x1BF5;
	[smem:$0x3FBA] =	sst s0  }
0x18: {  	s0 =	sld [smem:$0x3F9D];
	_ =	swait.ge [sflag:s4], $0x0  }
0x19: {  	s7 =	sld [smem:$0x3F9E]  }
0x1a: {  	s8 =	sadd.s32 $0xFFFFE003, lr  }
0x1b: {  	s9 =	sadd.s32 $0xFFFFFEF7, lr;
	s5 =	simm.s32 $0xFFFFFFFF;
	p2 =	slt.u32 s8, $0xFFFFF086  }
0x1c: {  	p1 =	slt.u32 s9, $0xF7A;
	s5 =	simm.s32 @!p2 $0x0  }
0x1d: {  	s5 =	simm.s32 @p1 $0x1;
	p0 =	seq.s32 s7, s2  }
0x1e: {  	s7 =	smul.u32 @!p0 $0xF7A, s2;
	p2 =	seq.s32 @!p0 s5, $0x0  }
0x1f: {  	s9 =	smul.u32 $0xF7A, s1;
	s8 =	simm.s32 @!p0 $0x1BF5;
	p2 =	por !p2, p0  }
0x20: {  	[sflag:s8] =	ssyncset.s32 @!p0 $0xFFFFF086;
	s6 =	sadd.s32 @!p0 s3, s7;
	s7 =	simm.s32 @!p0 $0x108  }
0x21: {  	s3 =	sadd.s32 s3, s9;
	s6 =	sadd.s32 @!p0 $0x88, s6;
	s7 =	simm.s32 @p2 $0x1082  }
0x22: {  	[simem:s7], [sflag:s8] =	dma.local @!p0 [hbm:s6], $0xF7A  }
0x23: {  	s9 =	sor.u32 $0xD0000000, s2;
	s6 =	simm.s32 $0x108;
	_ =	swait.ge @!p0 [sflag:s8], $0x0  }
0x24: {  	s3 =	sadd.s32 $0x88, s3;
	s6 =	simm.s32 @!p1 $0x1082;
	[sflag:s4] =	ssyncset.s32 $0xFFFFF086  }
0x25: {  	[simem:s6], [sflag:s4] =	dma.local [hbm:s3], $0xF7A  }
0x26: {  	[smem:$0x3F9E] =	sst s1;
	(tag) =	ssettag s2;
	_ =	strace s9  }
0x27: {  	s1 =	sld [smem:$0x3FAE]  }
0x28: {  	s2 =	sld [smem:$0x3FAF]  }
0x29: {  	s4 =	sld [smem:$0x3FB1]  }
0x2a: {  	p0 =	seq.s32 s5, $0x0;
	s5 =	sld [smem:$0x3FB2]  }
0x2b: {  	s6 =	sld [smem:$0x3FB3]  }
0x2c: {  	s7 =	sld [smem:$0x3FB4]  }
0x2d: {  	s3 =	simm.s32 $0x108;
	s8 =	sld [smem:$0x3FB5]  }
0x2e: {  	s3 =	simm.s32 @!p0 $0x1082;
	s9 =	sld [smem:$0x3FB6]  }
0x2f: {  	lr =	sadd.s32 s0, s3;
	s0 =	sld [smem:$0x3FAD]  }
0x30: {  	s3 =	sld [smem:$0x3FB0]  }
0x31: {  	[smem:$0x3FB9] =	sst s10  }
0x32: {  	s10 =	sld [smem:$0x3FB7];
	_ =	sdelay $0x3  }
0x33: {  	p0 =	seq.s32 s10, $0x1;
	s10 =	sld [smem:$0x3FB9];
	_ =	sdelay $0x3  }
0x34: {  	[smem:$0x3FB9] =	sst s10  }
0x35: {  	s10 =	sld [smem:$0x3FB8];
	_ =	sdelay $0x3  }
0x36: {  	p1 =	seq.s32 s10, $0x1;
	s10 =	sld [smem:$0x3FB9];
	_ =	sdelay $0x3  }
0x37: {  	[smem:$0x3FB9] =	sst s10  }
0x38: {  	s10 =	sld [smem:$0x3FBA]  }
0x39: {  	_ = 	snop;
	(pc) =	sbr.ind lr, $3  }
0x3a: {  	_ = 	snop  }
0x3b: {  	_ = 	snop  }
0x3c: {  	p2 =	seq.s32 s10, $0x1;
	s10 =	sld [smem:$0x3FB9]  }
0x3d: {  	_ =	shalt  }
0x3e: {  	_ =	shalt  }
0x3f: {  	_ =	shalt  }
0x40: {  	_ =	shalt  }
0x41: {  	_ =	shalt  }
0x42: {  	_ =	shalt  }
0x43: {  	_ =	shalt  }
0x44: {  	_ =	shalt  }
0x45: {  	_ =	shalt  }
0x46: {  	_ =	shalt  }
0x47: {  	_ =	shalt  }
0x48: {  	_ =	shalt  }
0x49: {  	_ =	shalt  }
0x4a: {  	_ =	shalt  }
0x4b: {  	_ =	shalt  }
0x4c: {  	_ =	shalt  }
0x4d: {  	_ =	shalt  }
0x4e: {  	_ =	shalt  }
0x4f: {  	_ =	shalt  }
0x50: {  	_ =	shalt  }
0x51: {  	_ =	shalt  }
0x52: {  	_ =	shalt  }
0x53: {  	_ =	shalt  }
0x54: {  	_ =	shalt  }
0x55: {  	_ =	shalt  }
0x56: {  	_ =	shalt  }
0x57: {  	_ =	shalt  }
0x58: {  	_ =	shalt  }
0x59: {  	_ =	shalt  }
0x5a: {  	_ =	shalt  }
0x5b: {  	_ =	shalt  }
0x5c: {  	_ =	shalt  }
0x5d: {  	_ =	shalt  }
0x5e: {  	_ =	shalt  }
0x5f: {  	_ =	shalt  }
0x60: {  	_ =	shalt  }
0x61: {  	_ =	shalt  }
0x62: {  	_ =	shalt  }
0x63: {  	_ =	shalt  }
0x64: {  	_ =	shalt  }
0x65: {  	_ =	shalt  }
0x66: {  	_ =	shalt  }
0x67: {  	_ =	shalt  }
0x68: {  	_ =	shalt  }
0x69: {  	_ =	shalt  }
0x6a: {  	_ =	shalt  }
0x6b: {  	_ =	shalt  }
0x6c: {  	_ =	shalt  }
0x6d: {  	_ =	shalt  }
0x6e: {  	_ =	shalt  }
0x6f: {  	_ =	shalt  }
0x70: {  	_ =	shalt  }
0x71: {  	_ =	shalt  }
0x72: {  	_ =	shalt  }
0x73: {  	_ =	shalt  }
0x74: {  	_ =	shalt  }
0x75: {  	_ =	shalt  }
0x76: {  	_ =	shalt  }
0x77: {  	_ =	shalt  }
0x78: {  	_ =	shalt  }
0x79: {  	_ =	shalt  }
0x7a: {  	_ =	shalt  }
0x7b: {  	_ =	shalt  }
0x7c: {  	_ =	shalt  }
0x7d: {  	_ =	shalt  }
0x7e: {  	_ =	shalt  }
0x7f: {  	_ =	shalt  }
0x80: {  	_ =	shalt  }
0x81: {  	_ =	shalt  }
0x82: {  	_ =	shalt  }
0x83: {  	_ =	shalt  }
0x84: {  	_ =	shalt  }
0x85: {  	_ =	shalt  }
0x86: {  	_ =	shalt  }
0x87: {  	_ =	shalt  }
.Lfunc_end0:
.L_simem_size_0:
called_computation_lowered:
.L_overlay_start_0:
0x88: {  	s2 =	sld [smem:$0x3FD9]  }
0x89: {  	s3 =	sld [smem:$0x3FFE];
	_ =	sdelay $0x1  }
0x8a: {  	s1 =	srdreg.scid  }
0x8b: {  	s0 =	sand.u32 $0x1, s1  }
0x8c: {  	s18 =	sshll.u32 s0, $0xA;
	s2 =	sadd.s32 s3, s2  }
0x8d: {  	s2 =	sadd.s32 s2, s18  }
0x8e: {  	[smem:$0x3FC5] =	sst s2  }
0x8f: {  	_ = 	snop  }
0x90: {  	s2 =	sld [smem:$0x3FC9]  }
0x91: {  	s19 =	sld [smem:$0x3FC8]  }
0x92: {  	s4 =	sld [smem:$0x3FC7]  }
0x93: {  	s5 =	sld [smem:$0x3FD0];
	(tm) =	ssettm $0x1  }
0x94: {  	s6 =	sld [smem:$0x3FFB];
	_ =	sdelay $0x3  }
0x95: {  	_ =	strace s6  }
0x96: {  	s6 =	sld [smem:$0x3FFC];
	_ =	sdelay $0x3  }
0x97: {  	_ =	strace s6  }
0x98: {  	s6 =	sld [smem:$0x3FFD];
	_ =	sdelay $0x3  }
0x99: {  	_ =	strace s6  }
0x9a: {  	_ =	strace $0x8FFFFFFF  }
0x9b: {  	s20 =	sld [smem:$0x3FDB];
	_ =	sdelay $0x1  }
0x9c: {  	s7 =	simm.s32 $_scs_section_size  }
0x9d: {  	s8 =	simm.s32 $_size__tile_overlayer_lowered;
	s9 =	simm.s32 $_tile_overlayer_lowered  }
0x9e: {  	s23 =	simm.s32 $0x1BFF;
	s22 =	sshll.u32 s9, $0x1;
	s6 =	sadd.s32 s7, s20  }
0x9f: {  	s10 =	simm.s32 $0x0;
	s21 =	sshll.u32 s8, $0x1;
	s8 =	sadd.s32 s22, s6  }
0xa0: {  	[timem:s10], [sflag:s23] =	dma.local [hbm:s8], s21  }
0xa1: {  	_ =	swait.ge [sflag:s23], s21  }
0xa2: {  	s7 =	ssub.s32 $0x0, s21;
	[sflag:s23] =	ssyncset.done $0x0  }
0xa3: {  	[sflag:s23] =	ssyncadd.s32 s7;
	_ =	sdelay $0x1  }
0xa4: {  	s24 =	simm.s32 $0x1B8B  }
0xa5: {  	_ =	swait.ge [sflag:s24], $0x1  }
0xa6: {  	[sflag:s24] =	ssyncset.done $0x0  }
0xa7: {  	s25 =	simm.s32 $0x1B8E;
	[sflag:s24] =	ssyncadd.s32 $0xFFFFFFFF  }
0xa8: {  	s26 =	simm.s32 $execute0_lowered;
	[smem:$0x3FD2] =	sst s25  }
0xa9: {  	s7 =	sshll.u32 s26, $0x1;
	_ =	strace $0x80000046;
	[dreg:$0x1] =	wrdreg $0xFFFFFFFF  }
0xaa: {  	s28 =	simm.s32 $_size_execute0_lowered;
	s6 =	sadd.s32 s6, s7;
	[dreg:$0x0] =	wrdreg $0x0  }
0xab: {  	s7 =	sshll.u32 s28, $0x1;
	[dreg:$0x2] =	wrdreg s6  }
0xac: {  	[dreg:$0x3] =	wrdreg s7  }
0xad: {  	[dreg:$0x4] =	wrdreg $0xC0  }
0xae: {  	_ =	task [dreg:s10], $0x5FFFF  }
0xaf: {  	[dreg:$0x1] =	wrdreg $0xFFFFFFFF  }
0xb0: {  	[dreg:$0x0] =	wrdreg $0x60  }
0xb1: {  	[dreg:$0x2] =	wrdreg s2  }
0xb2: {  	[dreg:$0x3] =	wrdreg s19  }
0xb3: {  	[dreg:$0x4] =	wrdreg s4  }
0xb4: {  	[dreg:$0x5] =	wrdreg s5  }
0xb5: {  	[dreg:$0x6] =	wrdreg $0x0  }
0xb6: {  	[dreg:$0x7] =	wrdreg $0x9  }
0xb7: {  	_ =	task.clear_ibuf [dreg:s10], $0x8FFFF;
	_ =	strace $0x90000046  }
0xb8: {  	s29 =	simm.s32 $0x9;
	_ =	strace $0x80000048  }
0xb9: {  	_ =	swait.ge [sflag:s29], $0x1  }
0xba: {  	[sflag:s29] =	ssyncadd.s32 $0xFFFFFFFF  }
0xbb: {  	_ =	strace $0x90000048  }
0xbc: {  	_ =	sfence  }
0xbd: {  	s30 =	sld [smem:$0x0];
	_ =	sdelay $0x2  }
0xbe: {  	s31 =	sshll.u32 s1, $0xD;
	s1 =	sshrl.u32 s1, $0x2  }
0xbf: {  	s3 =	sand.u32 $0x4000, s31;
	s1 =	sadd.s32 s1, s30  }
0xc0: {  	s0 =	sor.u32 s3, s0;
	s1 =	sshll.u32 s1, $0x11  }
0xc1: {  	s0 =	sor.u32 s1, s0  }
0xc2: {  	s0 =	sadd.s32 $0x8F2B, s0  }
0xc3: {  	[sflag:s0] =	ssyncadd.remote.s32 $0x1  }
0xc4: {  	_ =	sfence.sel $0xFFFF  }
0xc5: {  	[dreg:$0x0] =	wrdreg $0xFFFFFFFF;
	(pc) =	sbr.abs _section_cstart, $3  }
0xc6: {  	[dreg:$0x1] =	wrdreg $0xFFFFFFFF  }
0xc7: {  	_ =	task.clear_ibuf [dreg:s10], $0x2FFFF;
	_ =	strace $0x9FFFFFFF  }
0xc8: {  	(tm) =	ssettm $0x7FFFFFFF  }
0xc9: {  	_ =	shalt  }
tec
execute0_lowered:
.L_overlay_start_1:
0x0: {  	(tag) =	ssettag $0x1  }
0x1: {  	s1 =	rddreg [dreg:$0x0]  }
0x2: {  	s6 =	rddreg [dreg:$0x1]  }
0x3: {  	s17 =	rddreg [dreg:$0x2]  }
0x4: {  	s14 =	rddreg [dreg:$0x3]  }
0x5: {  	s2 =	rddreg [dreg:$0x4];
	s0 =	stileid.u32  }
0x6: {  	s4 =	srdreg.scid;
	s3 =	simm.s32 $0x0;
	s10 =	simm.s32 $0x4F  }
0x7: {  	s21 =	simm.s32 $0x13880;
	s22 =	simm.s32 $0x4;
	s5 =	smul.u32 $0x4E000, s0  }
0x8: {  	s4 =	sand.u32 $0x1, s4;
	[smem:$0x7FF] =	sst s3;
	p0 =	slt.u32 s0, $0x2  }
0x9: {  	s12 =	smul.u32 $0x13800, s0;
	s28 =	sadd.s32 $0x134800, s2;
	s19 =	sshll.u32 s0, $0x4  }
0xa: {  	s18 =	sshll.u32 s0, $0xC;
	s7 =	ssub.s32 $0x2, s4;
	_ =	strace $0x80000047  }
0xb: {  	s13 =	smul.u32 $0x138800, s4;
	[dreg:$0xa] =	wrdreg s28;
	s10 =	simm.s32 @!p0 $0x4E  }
0xc: {  	p0 =	seq.s32 s4, $0x0;
	s5 =	sshrl.u32 s5, $0x2;
	s8 =	sshrl.u32 s7, $0x1  }
0xd: {  	s5 =	sadd.s32 s5, s2;
	s16 =	ssub.s32 s7, s8;
	s15 =	sadd.s32 s12, s13  }
0xe: {  	s12 =	sadd.s32 $0x80, s1;
	s20 =	sshrl.u32 s13, $0x3;
	s23 =	sadd.s32 $0x4000, s5  }
0xf: {  	s24 =	sadd.s32 $0x8000, s5;
	s25 =	sadd.s32 $0xC000, s5;
	[dreg:$0x6] =	wrdreg s23  }
0x10: {  	s26 =	sadd.s32 $0x10000, s5;
	s15 =	sshrl.u32 s15, $0x3;
	[dreg:$0x7] =	wrdreg s24  }
0x11: {  	s30 =	sadd.s32 s14, s20;
	s16 =	smax.u32 s16, $0x1;
	[dreg:$0x8] =	wrdreg s25  }
0x12: {  	s20 =	smov.u32 s1;
	s1 =	sadd.s32 s18, s1;
	[dreg:$0x9] =	wrdreg s26  }
0x13: {  	s29 =	sadd.s32 s14, s15;
	s14 =	sadd.s32 s19, s17;
	s31 =	sadd.s32 $0x24900, s30  }
0x14: {  	s17 =	smov.u32 @p0 s6;
	s20 =	smov.u32 @p0 s12;
	[dreg:$0xb] =	wrdreg s29  }
0x15: {  	p0 =	sne.s32 s0, $0xF;
	[dreg:$0xc] =	wrdreg s31;
	s17 =	sadd.s32 s17, s19  }
0x16: {  	v0 =	vimm.f32 $0.0e+00;
	s18 =	sadd.s32 s18, s20;
	s19 =	sadd.s32 s19, s6;
	s20 =	sadd.s32 $0x10000, s1  }
.LBB2_1:
0x17: {  	s1 =	simm.s32 $0x0;
	s6 =	simm.s32 $0x200  }
.LBB2_2:
0x18: {  	p1 =	sne.s32 s6, $0xFE00;
	[tilespmem:s1+$0x138F0] =	vst v0  }
0x19: {  	[tilespmem:s1+$0x13880] =	vst v0  }
0x1a: {  	[tilespmem:s1+$0x13890] =	vst v0  }
.Ltmp0:
0x1b: {  	[tilespmem:s1+$0x138A0] =	vst v0;
	(pc) =	sbr.rel @p1 .LBB2_2-.Ltmp0, $4  }
0x1c: {  	[tilespmem:s1+$0x138B0] =	vst v0  }
0x1d: {  	[tilespmem:s1+$0x138C0] =	vst v0  }
0x1e: {  	[tilespmem:s1+$0x138D0] =	vst v0  }
0x1f: {  	[tilespmem:s1+$0x138E0] =	vst v0;
	s1 =	sshra.s32 s6, $0x2;
	s6 =	sadd.s32 $0x200, s6  }
0x20: {  	[tilespmem:s1+$0x138F0] =	vst v0  }
0x21: {  	[tilespmem:s1+$0x13880] =	vst v0  }
0x22: {  	[tilespmem:s1+$0x13890] =	vst v0  }
0x23: {  	[tilespmem:s1+$0x138A0] =	vst v0  }
0x24: {  	[tilespmem:s1+$0x138B0] =	vst v0  }
0x25: {  	[tilespmem:s1+$0x138C0] =	vst v0  }
0x26: {  	[tilespmem:s1+$0x138D0] =	vst v0  }
0x27: {  	[tilespmem:s1+$0x138E0] =	vst v0  }
0x28: {  	[spmem:s5] =	stream.linear.scatter [tilespmem:s21], [sflag:$0x4], $0x4000, $0x38;
	[tilespmem:$0x1B980] =	vst v63  }
0x29: {  	_ =	swait.ge [sflag:s22], $0x4000  }
0x2a: {  	[sflag:s22] =	ssyncset.done $0x0  }
0x2b: {  	s13 =	rddreg [dreg:$0x6];
	[sflag:s22] =	ssyncadd.s32 $0xFFFFC000  }
0x2c: {  	[spmem:s13] =	stream.linear.scatter [tilespmem:s21], [sflag:$0x4], $0x4000, $0x38;
	[tilespmem:$0x1B980] =	vst v63  }
0x2d: {  	_ =	swait.ge [sflag:s22], $0x4000  }
0x2e: {  	[sflag:s22] =	ssyncset.done $0x0  }
0x2f: {  	s15 =	rddreg [dreg:$0x7];
	[sflag:s22] =	ssyncadd.s32 $0xFFFFC000  }
0x30: {  	[spmem:s15] =	stream.linear.scatter [tilespmem:s21], [sflag:$0x4], $0x4000, $0x38;
	[tilespmem:$0x1B980] =	vst v63  }
0x31: {  	_ =	swait.ge [sflag:s22], $0x4000  }
0x32: {  	[sflag:s22] =	ssyncset.done $0x0  }
0x33: {  	s23 =	rddreg [dreg:$0x8];
	[sflag:s22] =	ssyncadd.s32 $0xFFFFC000  }
0x34: {  	[spmem:s23] =	stream.linear.scatter [tilespmem:s21], [sflag:$0x4], $0x4000, $0x38;
	[tilespmem:$0x1B980] =	vst v63  }
0x35: {  	_ =	swait.ge [sflag:s22], $0x4000  }
0x36: {  	[sflag:s22] =	ssyncset.done $0x0  }
0x37: {  	s1 =	simm.s32 @p0 $0x13880;
	s6 =	rddreg [dreg:$0x9];
	[sflag:s22] =	ssyncadd.s32 $0xFFFFC000  }
0x38: {  	[spmem:s6] =	stream.linear.scatter @p0 [tilespmem:s1], [sflag:$0x4], $0x3800, $0x38;
	[tilespmem:$0x1B980] =	vst v63  }
0x39: {  	s1 =	simm.s32 @p0 $0x4  }
0x3a: {  	s24 =	simm.s32 $0x0;
	_ =	swait.ge @p0 [sflag:s1], $0x3800  }
0x3b: {  	s25 =	simm.s32 $0x1B880;
	p1 =	sle.u32 s10, $0x1;
	[sflag:s1] =	ssyncset.done @p0 $0x0  }
0x3c: {  	s6 =	rddreg [dreg:$0xa];
	[sflag:s1] =	ssyncadd.s32 @p0 $0xFFFFC800;
	s1 =	simm.s32 @!p0 $0x13880  }
0x3d: {  	[spmem:s6] =	stream.linear.scatter @!p0 [tilespmem:s1], [sflag:$0x4], $0x4000, $0x38;
	[tilespmem:$0x1B980] =	vst v63  }
0x3e: {  	s26 =	simm.s32 $0x400;
	p2 =	sne.s32 @!p1 s4, $0x0;
	s1 =	simm.s32 @!p0 $0x4  }
0x3f: {  	s7 =	simm.s32 $0x800;
	p3 =	por !p2, p1;
	_ =	swait.ge @!p0 [sflag:s1], $0x4000  }
0x40: {  	p4 =	por p2, p1;
	p2 =	sle.u32 s10, $0x0;
	[sflag:s1] =	ssyncset.done @!p0 $0x0  }
0x41: {  	s28 =	simm.s32 @!p4 $0x0;
	s23 =	sadd.s32 @!p3 $0x0, s14;
	[sflag:s1] =	ssyncadd.s32 @!p0 $0xFFFFC000  }
0x42: {  	s23 =	sadd.s32 @!p3 $0x100, s23;
	s1 =	sshllo.u32 s24, $0x1;
	[bflag:$0x0] =	sbarrier.arrive $0xFFFF  }
0x43: {  	[tilespmem:s25], [sflag:$0x1] =	stream.linear.gather [hbm4b:s17+s24], $0x80, $0x38;
	[tilespmem:$0x1B980] =	vst v63  }
0x44: {  	s6 =	sshll.u32 @!p1 s0, $0xC;
	s1 =	sshll.u32 @!p1 s1, $0x10;
	s24 =	sadd.s32 @!p4 $0x0, s19  }
0x45: {  	[tilespmem:s21], [sflag:$0x1] =	stream.strided.gather [hbm4b:s18+s26], $0x4000, s7, s26, $0x38;
	[tilespmem:$0x1B980] =	vst v63  }
0x46: {  	s25 =	simm.s32 @!p3 $0x0;
	s1 =	sor.u32 @!p1 s6, s1;
	s26 =	simm.s32 @!p3 $0x1B900  }
0x47: {  	[tilespmem:s26], [sflag:$0x2] =	stream.linear.gather @!p3 [hbm4b:s23+s25], $0x80, $0x38;
	[tilespmem:$0x1B980] =	vst v63  }
0x48: {  	s6 =	simm.s32 @!p4 $0x1B900;
	s24 =	sadd.s32 @!p4 $0x100, s24;
	s1 =	sadd.s32 @!p4 s1, s12  }
0x49: {  	[tilespmem:s6], [sflag:$0x2] =	stream.linear.gather @!p4 [hbm4b:s24+s28], $0x80, $0x38;
	[tilespmem:$0x1B980] =	vst v63  }
0x4a: {  	s26 =	simm.s32 @!p1 $0x17880;
	s23 =	simm.s32 @!p1 $0x800;
	s6 =	smov.u32 s20  }
0x4b: {  	s24 =	simm.s32 @!p2 $0x1;
	s6 =	smov.u32 @p3 s1;
	s1 =	simm.s32 @!p1 $0x400  }
0x4c: {  	[tilespmem:s26], [sflag:$0x2] =	stream.strided.gather @!p1 [hbm4b:s6+s1], $0x4000, s23, s1, $0x38;
	[tilespmem:$0x1B980] =	vst v63  }
0x4d: {  	s25 =	simm.s32 @!p2 $0x1B880;
	p4 =	sle.u32 s10, $0x2;
	_ =	swait.ge @!p2 [sflag:s24], $0x80  }
0x4e: {  	p5 =	sne.s32 @!p4 s4, $0x0;
	s28 =	simm.s32 @!p4 $0x20000;
	[sflag:s24] =	ssyncset.done @!p2 $0x0  }
0x4f: {  	s1 =	simm.s32 @!p2 $0x13880;
	s6 =	simm.s32 @!p2 $0x80;
	[sflag:s24] =	ssyncadd.s32 @!p2 $0xFFFFFF80  }
0x50: {  	s23 =	simm.s32 @!p2 $0x3;
	p3 =	por !p5, p4;
	_ =	swait.ge @!p2 [sflag:s24], $0x4000  }
0x51: {  	p5 =	por p5, p4;
	s29 =	sadd.s32 @!p3 $0x0, s14;
	[sflag:s24] =	ssyncset.done @!p2 $0x0  }
0x52: {  	s30 =	sadd.s32 @!p3 $0x10000, s20;
	[sflag:s24] =	ssyncadd.s32 @!p2 $0xFFFFC000;
	s24 =	sshll.u32 @!p4 s0, $0xC  }
0x53: {  	[spmem:s2] =	stream.indirect.scatter.add.f32 @!p2 [tilespmem:s1], [sflag:$0x3], $0x80, s25, s6, $0xb8;
	[tilespmem:$0x1B980] =	vst v63  }
0x54: {  	s1 =	simm.s32 @!p3 $0x1B880;
	s6 =	sadd.s32 @!p5 $0x0, s19;
	_ =	swait.ge @!p2 [sflag:s23], $0x4000  }
0x55: {  	s25 =	sadd.s32 @!p3 $0x200, s29;
	s29 =	simm.s32 @!p3 $0x0;
	[sflag:s23] =	ssyncset.done @!p2 $0x0  }
0x56: {  	s6 =	sadd.s32 @!p5 $0x200, s6;
	[sflag:s23] =	ssyncadd.s32 @!p2 $0xFFFFC000;
	s23 =	simm.s32 @!p5 $0x0  }
0x57: {  	[tilespmem:s1], [sflag:$0x1] =	stream.linear.gather @!p3 [hbm4b:s25+s29], $0x80, $0x38;
	[tilespmem:$0x1B980] =	vst v63  }
0x58: {  	s1 =	sor.u32 @!p4 s24, s28;
	s24 =	simm.s32 @!p5 $0x1B880;
	s28 =	simm.s32 @!p4 $0x13880  }
0x59: {  	[tilespmem:s24], [sflag:$0x1] =	stream.linear.gather @!p5 [hbm4b:s6+s23], $0x80, $0x38;
	[tilespmem:$0x1B980] =	vst v63  }
0x5a: {  	s25 =	simm.s32 @!p1 $0x2;
	s1 =	sadd.s32 @!p5 s1, s12;
	s6 =	simm.s32 @!p4 $0x400  }
0x5b: {  	s23 =	simm.s32 @!p4 $0x800;
	s30 =	smov.u32 @p3 s1;
	p3 =	por p1, p1  }
0x5c: {  	[tilespmem:s28], [sflag:$0x1] =	stream.strided.gather @!p4 [hbm4b:s30+s6], $0x4000, s23, s6, $0x38;
	[tilespmem:$0x1B980] =	vst v63  }
0x5d: {  	s31 =	sadd.s32 $0x20000, s20;
	_ =	swait.ge @!p3 [sflag:s25], $0x80  }
0x5e: {  	s29 =	simm.s32 $0x200;
	s1 =	simm.s32 @!p1 $0x80;
	[sflag:s25] =	ssyncset.done @!p3 $0x0  }
0x5f: {  	s28 =	simm.s32 $0x1;
	s23 =	simm.s32 @!p1 $0x1B900;
	[sflag:s25] =	ssyncadd.s32 @!p3 $0xFFFFFF80  }
0x60: {  	s30 =	simm.s32 $0x2;
	s6 =	simm.s32 @!p3 $0x3;
	_ =	swait.ge @!p3 [sflag:s25], $0x4000  }
.LBB2_4:
0x61: {  	s7 =	sadd.s32 $0x1, s30  }
0x62: {  	[sflag:s25] =	ssyncset.done @!p3 $0x0;
	s24 =	smov.u32 s29;
	s29 =	sadd.s32 $0x200, s29  }
0x63: {  	s8 =	sshllo.u32 s28, $0x1;
	p1 =	sge.u32 s7, s10;
	[sflag:s25] =	ssyncadd.s32 @!p3 $0xFFFFC000  }
0x64: {  	[spmem:s2] =	stream.indirect.scatter.add.f32 @!p3 [tilespmem:s26], [sflag:$0x3], $0x80, s23, s1, $0xb8;
	[tilespmem:$0x1B980] =	vst v63  }
0x65: {  	p4 =	sne.s32 @!p1 s4, $0x0;
	s1 =	sshll.u32 @!p1 s0, $0xC;
	_ =	swait.ge @!p3 [sflag:s6], $0x4000  }
0x66: {  	p2 =	por !p4, p1;
	p4 =	por p4, p1;
	[sflag:s6] =	ssyncset.done @!p3 $0x0  }
0x67: {  	s7 =	sadd.s32 @!p2 s24, s14;
	s23 =	sadd.s32 @!p4 s24, s19;
	[sflag:s6] =	ssyncadd.s32 @!p3 $0xFFFFC000  }
0x68: {  	s25 =	simm.s32 @!p2 $0x1B900;
	s6 =	sadd.s32 @!p2 $0x100, s7;
	s7 =	simm.s32 @!p2 $0x0  }
0x69: {  	s8 =	sshll.u32 @!p1 s8, $0x10;
	s9 =	simm.s32 @!p4 $0x0;
	s23 =	sadd.s32 @!p4 $0x100, s23  }
0x6a: {  	[tilespmem:s25], [sflag:$0x2] =	stream.linear.gather @!p2 [hbm4b:s6+s7], $0x80, $0x38;
	[tilespmem:$0x1B980] =	vst v63  }
0x6b: {  	s26 =	simm.s32 @!p1 $0x17880;
	s1 =	sor.u32 @!p1 s1, s8;
	p3 =	sge.u32 s30, s10  }
0x6c: {  	s1 =	sadd.s32 @!p4 s1, s12;
	s6 =	simm.s32 @!p4 $0x1B900;
	s7 =	simm.s32 @!p1 $0x800  }
0x6d: {  	[tilespmem:s6], [sflag:$0x2] =	stream.linear.gather @!p4 [hbm4b:s23+s9], $0x80, $0x38;
	[tilespmem:$0x1B980] =	vst v63  }
0x6e: {  	s6 =	smov.u32 s31  }
0x6f: {  	s8 =	simm.s32 @!p3 $0x1;
	s6 =	smov.u32 @p2 s1;
	s1 =	simm.s32 @!p1 $0x400  }
0x70: {  	[tilespmem:s26], [sflag:$0x2] =	stream.strided.gather @!p1 [hbm4b:s6+s1], $0x4000, s7, s1, $0x38;
	[tilespmem:$0x1B980] =	vst v63  }
0x71: {  	s23 =	simm.s32 @!p1 $0x1B900;
	s1 =	simm.s32 @!p1 $0x80;
	_ =	swait.ge @!p3 [sflag:s8], $0x80  }
0x72: {  	p2 =	sne.s32 s29, $0x5000;
	s6 =	sshll.u32 s28, $0x1;
	[sflag:s8] =	ssyncset.done @!p3 $0x0  }
0x73: {  	s30 =	sadd.s32 $0x2, s30;
	s7 =	simm.s32 @!p3 $0x13880;
	[sflag:s8] =	ssyncadd.s32 @!p3 $0xFFFFFF80  }
0x74: {  	s9 =	simm.s32 @!p3 $0x80;
	p4 =	sge.u32 s30, s10;
	_ =	swait.ge @!p3 [sflag:s8], $0x4000  }
0x75: {  	s25 =	simm.s32 @!p3 $0x3;
	p6 =	sne.s32 @!p4 s4, $0x0;
	[sflag:s8] =	ssyncset.done @!p3 $0x0  }
0x76: {  	s6 =	sadd.s32 $0x2, s6;
	[sflag:s8] =	ssyncadd.s32 @!p3 $0xFFFFC000;
	s8 =	sshll.u32 @!p4 s0, $0xC  }
0x77: {  	s11 =	simm.s32 @!p3 $0x1B880;
	p5 =	por !p6, p4;
	s6 =	sshll.u32 @!p4 s6, $0x10  }
0x78: {  	p6 =	por p6, p4;
	s13 =	sadd.s32 @!p5 s24, s14;
	s15 =	sadd.s32 @!p5 $0x10000, s31  }
0x79: {  	[spmem:s2] =	stream.indirect.scatter.add.f32 @!p3 [tilespmem:s7], [sflag:$0x3], $0x80, s11, s9, $0xb8;
	[tilespmem:$0x1B980] =	vst v63  }
0x7a: {  	s7 =	simm.s32 @!p5 $0x1B880;
	s9 =	sadd.s32 @!p6 s24, s19;
	_ =	swait.ge @!p3 [sflag:s25], $0x4000  }
0x7b: {  	s11 =	sadd.s32 @!p5 $0x200, s13;
	s13 =	simm.s32 @!p5 $0x0;
	[sflag:s25] =	ssyncset.done @!p3 $0x0  }
0x7c: {  	s24 =	simm.s32 @!p6 $0x0;
	s9 =	sadd.s32 @!p6 $0x200, s9;
	[sflag:s25] =	ssyncadd.s32 @!p3 $0xFFFFC000  }
0x7d: {  	[tilespmem:s7], [sflag:$0x1] =	stream.linear.gather @!p5 [hbm4b:s11+s13], $0x80, $0x38;
	[tilespmem:$0x1B980] =	vst v63  }
0x7e: {  	s6 =	sor.u32 @!p4 s8, s6;
	s8 =	simm.s32 @!p4 $0x13880;
	s7 =	simm.s32 @!p6 $0x1B880  }
0x7f: {  	[tilespmem:s7], [sflag:$0x1] =	stream.linear.gather @!p6 [hbm4b:s9+s24], $0x80, $0x38;
	[tilespmem:$0x1B980] =	vst v63  }
0x80: {  	s6 =	sadd.s32 @!p6 s6, s12;
	s7 =	simm.s32 @!p4 $0x400;
	s9 =	simm.s32 @!p4 $0x800  }
0x81: {  	s15 =	smov.u32 @p5 s6;
	s25 =	simm.s32 @!p1 $0x2;
	p3 =	por p1, p1  }
0x82: {  	[tilespmem:s8], [sflag:$0x1] =	stream.strided.gather @!p4 [hbm4b:s15+s7], $0x4000, s9, s7, $0x38;
	[tilespmem:$0x1B980] =	vst v63  }
.Ltmp1:
0x83: {  	_ = 	snop;
	(pc) =	sbr.rel @p2 .LBB2_4-.Ltmp1, $4  }
0x84: {  	_ =	swait.ge @!p3 [sflag:s25], $0x80  }
0x85: {  	[sflag:s25] =	ssyncset.done @!p3 $0x0  }
0x86: {  	s31 =	sadd.s32 $0x20000, s31;
	[sflag:s25] =	ssyncadd.s32 @!p3 $0xFFFFFF80  }
0x87: {  	s28 =	sadd.s32 $0x1, s28;
	s6 =	simm.s32 @!p3 $0x3;
	_ =	swait.ge @!p3 [sflag:s25], $0x4000  }
0x88: {  	[sflag:s25] =	ssyncset.done @!p3 $0x0  }
0x89: {  	[sflag:s25] =	ssyncadd.s32 @!p3 $0xFFFFC000  }
0x8a: {  	[spmem:s2] =	stream.indirect.scatter.add.f32 @!p3 [tilespmem:s26], [sflag:$0x3], $0x80, s23, s1, $0xb8;
	[tilespmem:$0x1B980] =	vst v63  }
0x8b: {  	_ =	swait.ge @!p3 [sflag:s6], $0x4000  }
0x8c: {  	[sflag:s6] =	ssyncset.done @!p3 $0x0  }
0x8d: {  	[sflag:s6] =	ssyncadd.s32 @!p3 $0xFFFFC000  }
0x8e: {  	s1 =	sshll.u32 @p0 s0, $0x6;
	[bflag:$0x0] =	sbarrier.arrive $0xFFFF  }
0x8f: {  	s1 =	sor.u32 @p0 $0x1C04, s1;
	s6 =	sshrl.u32 @p0 s5, $0x3;
	s7 =	rddreg [dreg:$0xb]  }
0x90: {  	[hbm:s7], [sflag:s1] =	dma.local @p0 [spmem:s6], $0x2700  }
0x91: {  	s1 =	simm.s32 @p0 $0x4  }
0x92: {  	s3 =	sadd.s32 $0x1, s3;
	_ =	swait.ge @p0 [sflag:s1], $0x2700  }
0x93: {  	p1 =	sne.s32 s3, s16;
	s6 =	simm.s32 @!p0 $0x1FC4;
	[sflag:s1] =	ssyncset.done @p0 $0x0  }
0x94: {  	s7 =	rddreg [dreg:$0xc];
	[sflag:s1] =	ssyncadd.s32 @p0 $0xFFFFD900;
	s1 =	sshrl.u32 @!p0 s5, $0x3  }
0x95: {  	[hbm:s7], [sflag:s6] =	dma.local @!p0 [spmem:s1], $0x2800  }
.Ltmp2:
0x96: {  	_ = 	snop;
	(pc) =	sbr.rel @p1 .LBB2_1-.Ltmp2, $4  }
0x97: {  	s1 =	simm.s32 @!p0 $0x4  }
0x98: {  	_ =	swait.ge @!p0 [sflag:s1], $0x2800  }
0x99: {  	[sflag:s1] =	ssyncset.done @!p0 $0x0  }
0x9a: {  	[sflag:s1] =	ssyncadd.s32 @!p0 $0xFFFFD800  }
0x9b: {  	_ =	sfence.sel $0x180000  }
0x9c: {  	[bflag:$0x0] =	sbarrier.arrive $0xFFFF  }
0x9d: {  	_ =	strace $0x90000047  }
0x9e: {  	[bflag:$0x2] =	sbarrier.arrive $0xFFFF  }
0x9f: {  	p0 =	sne.s32 s0, $0x0;
	s0 =	rddreg [dreg:$0x5]  }
0xa0: {  	s0 =	sadd.s32 @!p0 $0x100000, s0  }
0xa1: {  	[sflag:s0] =	ssyncadd.tile.s32 @!p0 $0x1;
	_ =	shalt  }
.Lfunc_end2:
_tile_overlayer_lowered:
.L_overlay_start_2:
0xa2: {  	(tag) =	ssettag $0x2  }
0xa3: {  	s0 =	rddreg [dreg:$0x0];
	s2 =	stileid.u32  }
0xa4: {  	s1 =	rddreg [dreg:$0x1];
	p0 =	sne.s32 s2, $0x0  }
0xa5: {  	s3 =	rddreg [dreg:$0x2];
	[bflag:$0x3] =	sbarrier.arrive $0xFFFF;
	s2 =	simm.s32 @!p0 $0x1C04  }
0xa6: {  	[timem:s3], [sflag:s2] =	dma.local @!p0 [hbm:s0], s1  }
0xa7: {  	s0 =	simm.s32 @!p0 $0x4  }
0xa8: {  	_ =	swait.ge @!p0 [sflag:s0], s1  }
0xa9: {  	s1 =	ssub.s32 @!p0 $0x0, s1;
	[sflag:s0] =	ssyncset.done @!p0 $0x0  }
0xaa: {  	[sflag:s0] =	ssyncadd.s32 @!p0 s1  }
0xab: {  	[bflag:$0x3] =	sbarrier.arrive $0xFFFF  }
0xac: {  	_ =	shalt  }

</sc_bundles>
